<compile_context>
chip_gen: v7x
topology: tpu7x:2x2x1
jax: 0.10.2.dev20260603
libtpu: 0.0.44.dev20260713+nightly
codegen_flags: <defaults>
</compile_context>

<pallas_src>
import functools
import jax
import jax.numpy as jnp
from jax import lax
from jax.experimental import pallas as pl
from jax.experimental.pallas import tpu as pltpu
from jax.experimental.pallas import tpu_sc as plsc

N = 10000
NPAD = 10240
E = 320000
EMB = 128
BLK = 400
NC = 2
NS = 16
EPT = E // (NC * NS)
CH = 128
NFULL = EPT // CH
REM = EPT - NFULL * CH
SLAB = NPAD // NS


def _sc_mesh():
    return plsc.VectorSubcoreMesh(core_axis_name="c", subcore_axis_name="s")



def _deg_body(src_hbm, dst_hbm, z128_hbm, pay_hbm, out_hbm,
              deg_s, idx_v, idx16_v, pay_v):
    c = lax.axis_index("c")
    s = lax.axis_index("s")
    base = (c * NS + s) * EPT
    slab = s * SLAB
    pltpu.sync_copy(z128_hbm.at[pl.ds(slab, SLAB)], deg_s.at[pl.ds(slab, SLAB)])
    pltpu.sync_copy(pay_hbm, pay_v)
    plsc.subcore_barrier()

    def body(i, carry):
        off = base + i * CH
        pltpu.sync_copy(src_hbm.at[pl.ds(off, CH)], idx_v)
        pltpu.sync_copy(pay_v.at[0], deg_s.at[idx_v], add=True)
        pltpu.sync_copy(dst_hbm.at[pl.ds(off, CH)], idx_v)
        pltpu.sync_copy(pay_v.at[1], deg_s.at[idx_v], add=True)
        return carry

    lax.fori_loop(0, NFULL, body, 0)
    off = base + NFULL * CH
    pltpu.sync_copy(src_hbm.at[pl.ds(off, REM)], idx16_v)
    pltpu.sync_copy(pay_v.at[0, pl.ds(0, REM)], deg_s.at[idx16_v], add=True)
    pltpu.sync_copy(dst_hbm.at[pl.ds(off, REM)], idx16_v)
    pltpu.sync_copy(pay_v.at[1, pl.ds(0, REM)], deg_s.at[idx16_v], add=True)
    plsc.subcore_barrier()
    pltpu.sync_copy(deg_s.at[pl.ds(slab, SLAB)], out_hbm.at[c, pl.ds(slab, SLAB)])


def _degrees(src, dst, z128):
    col = jnp.arange(EMB)[None, :]
    pay = jnp.stack([
        jnp.where(col == 0, 1.0, 0.0) * jnp.ones((CH, 1), jnp.float32),
        jnp.where(col == 64, 1.0, 0.0) * jnp.ones((CH, 1), jnp.float32),
    ]).astype(jnp.float32)
    kfn = pl.kernel(
        _deg_body,
        out_type=jax.ShapeDtypeStruct((NC, NPAD, EMB), jnp.float32),
        mesh=_sc_mesh(),
        scratch_types=[
            pltpu.VMEM_SHARED((NPAD, EMB), jnp.float32),
            pltpu.VMEM((CH,), jnp.int32),
            pltpu.VMEM((REM,), jnp.int32),
            pltpu.VMEM((2, CH, EMB), jnp.float32),
        ],
    )
    return kfn(src, dst, z128, pay)



def _pass_body(src_hbm, dst_hbm, v_hbm, z128_hbm, out_hbm,
               out_s, sidx0_v, sidx1_v, didx0_v, didx1_v,
               idx16a_v, idx16b_v, rows0_v, rows1_v, rows16_v,
               sem0, sem1, sem16):
    c = lax.axis_index("c")
    s = lax.axis_index("s")
    base = (c * NS + s) * EPT
    slab = s * SLAB
    pltpu.sync_copy(z128_hbm.at[pl.ds(slab, SLAB)], out_s.at[pl.ds(slab, SLAB)])
    plsc.subcore_barrier()

    pltpu.sync_copy(src_hbm.at[pl.ds(base, CH)], sidx0_v)
    pltpu.async_copy(v_hbm.at[sidx0_v], rows0_v, sem0)

    def body(i, carry):
        off1 = base + (2 * i + 1) * CH
        pltpu.sync_copy(src_hbm.at[pl.ds(off1, CH)], sidx1_v)
        pltpu.async_copy(v_hbm.at[sidx1_v], rows1_v, sem1)
        pltpu.make_async_copy(v_hbm.at[sidx0_v], rows0_v, sem0).wait()
        pltpu.sync_copy(dst_hbm.at[pl.ds(off1 - CH, CH)], didx0_v)
        pltpu.sync_copy(rows0_v, out_s.at[didx0_v], add=True)

        @pl.when(i < NFULL // 2 - 1)
        def _():
            off2 = off1 + CH
            pltpu.sync_copy(src_hbm.at[pl.ds(off2, CH)], sidx0_v)
            pltpu.async_copy(v_hbm.at[sidx0_v], rows0_v, sem0)

        pltpu.make_async_copy(v_hbm.at[sidx1_v], rows1_v, sem1).wait()
        pltpu.sync_copy(dst_hbm.at[pl.ds(off1, CH)], didx1_v)
        pltpu.sync_copy(rows1_v, out_s.at[didx1_v], add=True)
        return carry

    lax.fori_loop(0, NFULL // 2, body, 0)
    off = base + NFULL * CH
    pltpu.sync_copy(src_hbm.at[pl.ds(off, REM)], idx16a_v)
    pltpu.async_copy(v_hbm.at[idx16a_v], rows16_v, sem16).wait()
    pltpu.sync_copy(dst_hbm.at[pl.ds(off, REM)], idx16b_v)
    pltpu.sync_copy(rows16_v, out_s.at[idx16b_v], add=True)
    plsc.subcore_barrier()
    pltpu.sync_copy(out_s.at[pl.ds(slab, SLAB)], out_hbm.at[c, pl.ds(slab, SLAB)])


def _edge_pass(src, dst, v, z128):
    kfn = pl.kernel(
        _pass_body,
        out_type=jax.ShapeDtypeStruct((NC, NPAD, EMB), jnp.float32),
        mesh=_sc_mesh(),
        scratch_types=[
            pltpu.VMEM_SHARED((NPAD, EMB), jnp.float32),
            pltpu.VMEM((CH,), jnp.int32),
            pltpu.VMEM((CH,), jnp.int32),
            pltpu.VMEM((CH,), jnp.int32),
            pltpu.VMEM((CH,), jnp.int32),
            pltpu.VMEM((REM,), jnp.int32),
            pltpu.VMEM((REM,), jnp.int32),
            pltpu.VMEM((CH, EMB), jnp.float32),
            pltpu.VMEM((CH, EMB), jnp.float32),
            pltpu.VMEM((REM, EMB), jnp.float32),
            pltpu.SemaphoreType.DMA,
            pltpu.SemaphoreType.DMA,
            pltpu.SemaphoreType.DMA,
        ],
    )
    return kfn(src, dst, v, z128)



def _prep0_kernel(x_ref, emb0_ref, w0t_ref, bm0_ref, degp_ref,
                  hbar_ref, v0_ref, ideg_ref, od_ref):
    rows2 = jnp.dot(emb0_ref[...], w0t_ref[...],
                    preferred_element_type=jnp.float32) + bm0_ref[...]
    hbar = jnp.where(x_ref[...] == 0, rows2[0:1, :], rows2[1:2, :])
    d = degp_ref[0] + degp_ref[1]
    od = d[:, 0:1] + 1.0
    hbar_ref[...] = hbar
    v0_ref[...] = hbar / od
    ideg_ref[...] = d[:, 64:65] + 1.0
    od_ref[...] = od


def _mid_kernel(hbar_ref, v0_ref, ideg_ref, od_ref, p_ref, bias_ref,
                w1t_ref, bm1_ref, h1_ref, v1_ref):
    comb = (ideg_ref[...] * hbar_ref[...] + v0_ref[...]
            + p_ref[0] + p_ref[1] + bias_ref[...])
    g = jnp.maximum(comb, 0.0)
    h1 = jnp.dot(g, w1t_ref[...], preferred_element_type=jnp.float32) + bm1_ref[...]
    h1_ref[...] = h1
    v1_ref[...] = h1 / od_ref[...]


def _final_kernel(h1_ref, v1_ref, ideg_ref, p_ref, bias_ref, out_ref):
    out_ref[...] = (ideg_ref[...] * h1_ref[...] + v1_ref[...]
                    + p_ref[0] + p_ref[1] + bias_ref[...])


def _row_spec():
    return pl.BlockSpec((BLK, EMB), lambda i: (i, 0))


def _col_spec():
    return pl.BlockSpec((BLK, 1), lambda i: (i, 0))


def _full_spec(shape):
    return pl.BlockSpec(shape, lambda i: tuple(0 for _ in shape))


def _part_spec():
    return pl.BlockSpec((NC, BLK, EMB), lambda i: (0, i, 0))


def _prep0(x2, emb0, w0t, bm0, degp):
    return pl.pallas_call(
        _prep0_kernel,
        grid=(N // BLK,),
        in_specs=[_col_spec(), _full_spec((2, EMB)), _full_spec((EMB, EMB)),
                  _full_spec((1, EMB)), _part_spec()],
        out_specs=[_row_spec(), _row_spec(), _col_spec(), _col_spec()],
        out_shape=[jax.ShapeDtypeStruct((N, EMB), jnp.float32),
                   jax.ShapeDtypeStruct((N, EMB), jnp.float32),
                   jax.ShapeDtypeStruct((N, 1), jnp.float32),
                   jax.ShapeDtypeStruct((N, 1), jnp.float32)],
    )(x2, emb0, w0t, bm0, degp)


def _mid(hbar, v0, ideg, od, part, bias, w1t, bm1):
    return pl.pallas_call(
        _mid_kernel,
        grid=(N // BLK,),
        in_specs=[_row_spec(), _row_spec(), _col_spec(), _col_spec(),
                  _part_spec(), _full_spec((1, EMB)),
                  _full_spec((EMB, EMB)), _full_spec((1, EMB))],
        out_specs=[_row_spec(), _row_spec()],
        out_shape=[jax.ShapeDtypeStruct((N, EMB), jnp.float32),
                   jax.ShapeDtypeStruct((N, EMB), jnp.float32)],
    )(hbar, v0, ideg, od, part, bias, w1t, bm1)


def _final(h1, v1, ideg, part, bias):
    return pl.pallas_call(
        _final_kernel,
        grid=(N // BLK,),
        in_specs=[_row_spec(), _row_spec(), _col_spec(), _part_spec(),
                  _full_spec((1, EMB))],
        out_specs=_row_spec(),
        out_shape=jax.ShapeDtypeStruct((N, EMB), jnp.float32),
    )(h1, v1, ideg, part, bias)


def kernel(x, edge_index, emb0, W0, b0, att0, bias0, W1, b1, att1, bias1):
    src = edge_index[0]
    dst = edge_index[1]
    x2 = x[:, None]

    w0t = (0.5 * (W0[:EMB] + W0[EMB:])).T
    bm0 = (0.5 * (b0[:EMB] + b0[EMB:]))[None, :]
    w1t = (0.5 * (W1[:EMB] + W1[EMB:])).T
    bm1 = (0.5 * (b1[:EMB] + b1[EMB:]))[None, :]

    z128 = jnp.zeros((NPAD, EMB), jnp.float32)
    degp = _degrees(src, dst, z128)
    hbar0, v0, ideg, od = _prep0(x2, emb0, w0t, bm0, degp)
    part0 = _edge_pass(src, dst, v0, z128)
    h1, v1 = _mid(hbar0, v0, ideg, od, part0, bias0[None, :], w1t, bm1)
    part1 = _edge_pass(src, dst, v1, z128)
    return _final(h1, v1, ideg, part1, bias1[None, :])

# --- scband reference (transcript-rebuilt; emitter-appended) ---
"""Pipeline reference for scband-gnn-64501818851480 (READ-ONLY COPY).

The authoritative reference and input builder live on the scoring server;
editing this copy changes nothing except your own understanding.
"""

import jax, jax.numpy as jnp
import numpy as np

N = 10000
E = 320000
EMB = 128
HEADS = 2
SLOPE = 0.2


def setup_inputs(seed: int = 0):
    key = jax.random.key(seed)
    ks = jax.random.split(key, 12)
    x = jax.random.randint(ks[0], (N,), 0, 2, dtype=jnp.int32)
    edge_index = jax.random.randint(ks[1], (2, E), 0, N, dtype=jnp.int32)
    emb0 = jax.random.normal(ks[2], (2, EMB), dtype=jnp.float32)
    W0 = jax.random.normal(ks[3], (HEADS * EMB, EMB), dtype=jnp.float32) * 0.05
    b0 = jnp.zeros((HEADS * EMB,), dtype=jnp.float32)
    att0 = jax.random.normal(ks[4], (1, HEADS, EMB), dtype=jnp.float32) * 0.1
    bias0 = jnp.zeros((EMB,), dtype=jnp.float32)
    W1 = jax.random.normal(ks[5], (HEADS * EMB, EMB), dtype=jnp.float32) * 0.05
    b1 = jnp.zeros((HEADS * EMB,), dtype=jnp.float32)
    att1 = jax.random.normal(ks[6], (1, HEADS, EMB), dtype=jnp.float32) * 0.1
    bias1 = jnp.zeros((EMB,), dtype=jnp.float32)
    return {"x": x, "edge_index": edge_index, "emb0": emb0, "W0": W0, "b0": b0,
            "att0": att0, "bias0": bias0, "W1": W1, "b1": b1, "att1": att1, "bias1": bias1}


def _seg_softmax(alpha, idx, n):
    amax = jax.ops.segment_max(alpha, idx, num_segments=n)
    amax = jnp.where(jnp.isfinite(amax), amax, 0.0)
    ex = jnp.exp(alpha - amax[idx])
    s = jax.ops.segment_sum(ex, idx, num_segments=n)
    return ex / (s[idx] + 1e-16)


def _gat_layer(h, ei, W, b, att, bias):
    n = h.shape[0]
    h = (h @ W.T + b).reshape(n, HEADS, EMB)
    src = ei[0]
    dst = ei[1]
    x_j = h[src]
    x_i = h[dst]
    alpha = (x_j * att).sum(axis=-1)  # [E2, HEADS]
    alpha = jax.nn.leaky_relu(alpha, SLOPE)
    alpha = _seg_softmax(alpha, src, n)  # softmax grouped by edge_index[0], as in original
    msg = x_i + x_j * alpha[:, :, None]  # plus_or_minus == 'plus'
    out = jax.ops.segment_sum(msg, dst, num_segments=n)  # aggr='add' onto target nodes
    return out.mean(axis=1) + bias


def reference(x, edge_index, emb0, W0, b0, att0, bias0, W1, b1, att1, bias1):
    loops = jnp.arange(N, dtype=edge_index.dtype)
    ei = jnp.concatenate([edge_index, jnp.stack([loops, loops])], axis=1)
    # layer 0: input_layer=True -> embed int node ids
    h = emb0[x.reshape(-1)]
    h = _gat_layer(h, ei, W0, b0, att0, bias0)
    h = jax.nn.relu(h)  # dropout(relu(h), 0) == relu(h)
    # layer 1 (last): dropout(h, 0) == h
    h = _gat_layer(h, ei, W1, b1, att1, bias1)
    return h  # JK == 'last'

if __name__ == "__main__":
    import jax
    _d = setup_inputs()
    print(jax.jit(kernel)(*tuple(_d.values())))

</pallas_src>

<mosaic_0001>
#map = affine_map<(d0, d1) -> (0)>
#map1 = affine_map<(d0, d1) -> (0, 0)>
#map2 = affine_map<(d0, d1) -> (0, 0, 0)>
module attributes {stable_mosaic.version = 14 : i64} {
  func.func @_deg_body(%arg0: i32, %arg1: i32, %arg2: memref<320000xi32, #tpu.memory_space<hbm>>, %arg3: memref<320000xi32, #tpu.memory_space<hbm>>, %arg4: memref<10240x128xf32, #tpu.memory_space<hbm>>, %arg5: memref<2x128x128xf32, #tpu.memory_space<hbm>>, %arg6: memref<2x10240x128xf32, #tpu.memory_space<hbm>>, %arg7: memref<10240x128xf32, #tpu.memory_space<vmem_shared>>, %arg8: memref<128xi32, #tpu.memory_space<vmem>>, %arg9: memref<16xi32, #tpu.memory_space<vmem>>, %arg10: memref<2x128x128xf32, #tpu.memory_space<vmem>>) attributes {dimension_semantics = [#tpu.dimension_semantics<core_parallel>, #tpu.dimension_semantics<subcore_parallel>], iteration_bounds = array<i64: 2, 16>, scalar_prefetch = 0 : i64, scratch_operands = 4 : i64, tpu.core_type = #tpu.core_type<sc_vector_subcore>, window_params = [{transform_indices = #map}, {transform_indices = #map}, {transform_indices = #map1}, {transform_indices = #map2}, {transform_indices = #map2}]} {
    %mul3A = arith.constant 16 : i32
    %mul3A_0 = arith.muli %arg0, %mul3A : i32
    %add3A = arith.addi %mul3A_0, %arg1 : i32
    %mul3A_1 = arith.constant 10000 : i32
    %mul3A_2 = arith.muli %add3A, %mul3A_1 : i32
    %mul3A_3 = arith.constant 640 : i32
    %mul3A_4 = arith.muli %arg1, %mul3A_3 : i32
    "tpu.region"() ({
      %run_scoped3A_14 = tpu.sem_alloc : memref<!tpu.dma_semaphore, #tpu.memory_space<semaphore_mem>>
      %dma_start3A = arith.constant 0 : i32
      %dma_start3A_15 = tpu.memref_slice %arg7[%mul3A_4, %dma_start3A] : memref<10240x128xf32, #tpu.memory_space<vmem_shared>> -> memref<640x128xf32, #tpu.memory_space<vmem_shared>>
      %dma_start3A_16 = arith.constant 0 : i32
      %dma_start3A_17 = tpu.memref_slice %arg4[%mul3A_4, %dma_start3A_16] : memref<10240x128xf32, #tpu.memory_space<hbm>> -> memref<640x128xf32, #tpu.memory_space<hbm>>
      tpu.enqueue_dma source(%dma_start3A_17 : memref<640x128xf32, #tpu.memory_space<hbm>>) target(%dma_start3A_15 : memref<640x128xf32, #tpu.memory_space<vmem_shared>>) target_semaphore(%run_scoped3A_14 : memref<!tpu.dma_semaphore, #tpu.memory_space<semaphore_mem>>)
      %dma_wait3A = arith.constant 0 : i32
      %dma_wait3A_18 = tpu.memref_slice %arg7[%mul3A_4, %dma_wait3A] : memref<10240x128xf32, #tpu.memory_space<vmem_shared>> -> memref<640x128xf32, #tpu.memory_space<vmem_shared>>
      %dma_wait3A_19 = arith.constant 0 : i32
      %dma_wait3A_20 = tpu.memref_slice %arg4[%mul3A_4, %dma_wait3A_19] : memref<10240x128xf32, #tpu.memory_space<hbm>> -> memref<640x128xf32, #tpu.memory_space<hbm>>
      tpu.wait_dma2 semaphore(%run_scoped3A_14 : memref<!tpu.dma_semaphore, #tpu.memory_space<semaphore_mem>>) src(%dma_wait3A_20 : memref<640x128xf32, #tpu.memory_space<hbm>>) dst(%dma_wait3A_18 : memref<640x128xf32, #tpu.memory_space<vmem_shared>>)
      tpu.yield
    }) : () -> ()
    "tpu.region"() ({
      %run_scoped3A_14 = tpu.sem_alloc : memref<!tpu.dma_semaphore, #tpu.memory_space<semaphore_mem>>
      tpu.enqueue_dma source(%arg5 : memref<2x128x128xf32, #tpu.memory_space<hbm>>) target(%arg10 : memref<2x128x128xf32, #tpu.memory_space<vmem>>) target_semaphore(%run_scoped3A_14 : memref<!tpu.dma_semaphore, #tpu.memory_space<semaphore_mem>>)
      tpu.wait_dma2 semaphore(%run_scoped3A_14 : memref<!tpu.dma_semaphore, #tpu.memory_space<semaphore_mem>>) src(%arg5 : memref<2x128x128xf32, #tpu.memory_space<hbm>>) dst(%arg10 : memref<2x128x128xf32, #tpu.memory_space<vmem>>)
      tpu.yield
    }) : () -> ()
    %barrier3A = arith.constant 0 : index
    tpu.barrier barrier_id(%barrier3A)
    %scan3A = arith.constant 0 : i32
    %scan3A_5 = arith.constant 0 : i32
    %scan3A_6 = arith.constant 78 : i32
    %scan3A_7 = arith.addi %scan3A_5, %scan3A_6 : i32
    %scan3A_8 = arith.constant 1 : i32
    scf.for %scan3A_14 = %scan3A_5 to %scan3A_7 step %scan3A_8  : i32 {
      %mul3A_15 = arith.constant 128 : i32
      %mul3A_16 = arith.muli %scan3A_14, %mul3A_15 : i32
      %add3A_17 = arith.addi %mul3A_2, %mul3A_16 : i32
      "tpu.region"() ({
        %run_scoped3A_20 = tpu.sem_alloc : memref<!tpu.dma_semaphore, #tpu.memory_space<semaphore_mem>>
        %dma_start3A = tpu.memref_slice %arg2[%add3A_17] : memref<320000xi32, #tpu.memory_space<hbm>> -> memref<128xi32, #tpu.memory_space<hbm>>
        %dma_start3A_21 = tpu.memref_slice %arg2[%add3A_17] : memref<320000xi32, #tpu.memory_space<hbm>> -> memref<128xi32, #tpu.memory_space<hbm>>
        tpu.enqueue_dma source(%dma_start3A_21 : memref<128xi32, #tpu.memory_space<hbm>>) target(%arg8 : memref<128xi32, #tpu.memory_space<vmem>>) target_semaphore(%run_scoped3A_20 : memref<!tpu.dma_semaphore, #tpu.memory_space<semaphore_mem>>)
        %dma_wait3A = tpu.memref_slice %arg2[%add3A_17] : memref<320000xi32, #tpu.memory_space<hbm>> -> memref<128xi32, #tpu.memory_space<hbm>>
        %dma_wait3A_22 = tpu.memref_slice %arg2[%add3A_17] : memref<320000xi32, #tpu.memory_space<hbm>> -> memref<128xi32, #tpu.memory_space<hbm>>
        tpu.wait_dma2 semaphore(%run_scoped3A_20 : memref<!tpu.dma_semaphore, #tpu.memory_space<semaphore_mem>>) src(%dma_wait3A_22 : memref<128xi32, #tpu.memory_space<hbm>>) dst(%arg8 : memref<128xi32, #tpu.memory_space<vmem>>)
        tpu.yield
      }) : () -> ()
      %run_scoped3A_18 = arith.constant 0 : i32
      "tpu.region"() ({
        %run_scoped3A_20 = tpu.sem_alloc : memref<!tpu.dma_semaphore, #tpu.memory_space<semaphore_mem>>
        %dma_start3A = arith.constant 0 : i32
        %dma_start3A_21 = arith.constant 0 : i32
        %dma_start3A_22 = tpu.memref_slice %arg10[%run_scoped3A_18, %dma_start3A, %dma_start3A_21] : memref<2x128x128xf32, #tpu.memory_space<vmem>> -> memref<1x128x128xf32, #tpu.memory_space<vmem>>
        %dma_start3A_23 = tpu.memref_squeeze %dma_start3A_22 : memref<1x128x128xf32, #tpu.memory_space<vmem>> -> memref<128x128xf32, #tpu.memory_space<vmem>>
        %dma_start3A_24 = arith.constant 0 : i32
        %dma_start3A_25 = arith.constant 0 : i32
        %dma_start3A_26 = tpu.memref_slice %arg7[%dma_start3A_24, %dma_start3A_25] : memref<10240x128xf32, #tpu.memory_space<vmem_shared>> -> memref<10240x128xf32, #tpu.memory_space<vmem_shared>>
        tpu.enqueue_indirect_dma source(%dma_start3A_23 : memref<128x128xf32, #tpu.memory_space<vmem>>) target(%dma_start3A_26 : memref<10240x128xf32, #tpu.memory_space<vmem_shared>>) offsets(%arg8 : memref<128xi32, #tpu.memory_space<vmem>>) semaphore(%run_scoped3A_20 : memref<!tpu.dma_semaphore, #tpu.memory_space<semaphore_mem>>) {add = true}
        %dma_wait3A = arith.constant 0 : i32
        %dma_wait3A_27 = arith.constant 0 : i32
        %dma_wait3A_28 = tpu.memref_slice %arg10[%run_scoped3A_18, %dma_wait3A, %dma_wait3A_27] : memref<2x128x128xf32, #tpu.memory_space<vmem>> -> memref<1x128x128xf32, #tpu.memory_space<vmem>>
        %dma_wait3A_29 = tpu.memref_squeeze %dma_wait3A_28 : memref<1x128x128xf32, #tpu.memory_space<vmem>> -> memref<128x128xf32, #tpu.memory_space<vmem>>
        %dma_wait3A_30 = arith.constant 0 : i32
        %dma_wait3A_31 = arith.constant 0 : i32
        %dma_wait3A_32 = tpu.memref_slice %arg7[%dma_wait3A_30, %dma_wait3A_31] : memref<10240x128xf32, #tpu.memory_space<vmem_shared>> -> memref<10240x128xf32, #tpu.memory_space<vmem_shared>>
        tpu.wait_indirect_dma semaphore(%run_scoped3A_20 : memref<!tpu.dma_semaphore, #tpu.memory_space<semaphore_mem>>) src(%dma_wait3A_29 : memref<128x128xf32, #tpu.memory_space<vmem>>) dst(%dma_wait3A_32 : memref<10240x128xf32, #tpu.memory_space<vmem_shared>>)
        tpu.yield
      }) : () -> ()
      "tpu.region"() ({
        %run_scoped3A_20 = tpu.sem_alloc : memref<!tpu.dma_semaphore, #tpu.memory_space<semaphore_mem>>
        %dma_start3A = tpu.memref_slice %arg3[%add3A_17] : memref<320000xi32, #tpu.memory_space<hbm>> -> memref<128xi32, #tpu.memory_space<hbm>>
        %dma_start3A_21 = tpu.memref_slice %arg3[%add3A_17] : memref<320000xi32, #tpu.memory_space<hbm>> -> memref<128xi32, #tpu.memory_space<hbm>>
        tpu.enqueue_dma source(%dma_start3A_21 : memref<128xi32, #tpu.memory_space<hbm>>) target(%arg8 : memref<128xi32, #tpu.memory_space<vmem>>) target_semaphore(%run_scoped3A_20 : memref<!tpu.dma_semaphore, #tpu.memory_space<semaphore_mem>>)
        %dma_wait3A = tpu.memref_slice %arg3[%add3A_17] : memref<320000xi32, #tpu.memory_space<hbm>> -> memref<128xi32, #tpu.memory_space<hbm>>
        %dma_wait3A_22 = tpu.memref_slice %arg3[%add3A_17] : memref<320000xi32, #tpu.memory_space<hbm>> -> memref<128xi32, #tpu.memory_space<hbm>>
        tpu.wait_dma2 semaphore(%run_scoped3A_20 : memref<!tpu.dma_semaphore, #tpu.memory_space<semaphore_mem>>) src(%dma_wait3A_22 : memref<128xi32, #tpu.memory_space<hbm>>) dst(%arg8 : memref<128xi32, #tpu.memory_space<vmem>>)
        tpu.yield
      }) : () -> ()
      %run_scoped3A_19 = arith.constant 1 : i32
      "tpu.region"() ({
        %run_scoped3A_20 = tpu.sem_alloc : memref<!tpu.dma_semaphore, #tpu.memory_space<semaphore_mem>>
        %dma_start3A = arith.constant 0 : i32
        %dma_start3A_21 = arith.constant 0 : i32
        %dma_start3A_22 = tpu.memref_slice %arg10[%run_scoped3A_19, %dma_start3A, %dma_start3A_21] : memref<2x128x128xf32, #tpu.memory_space<vmem>> -> memref<1x128x128xf32, #tpu.memory_space<vmem>>
        %dma_start3A_23 = tpu.memref_squeeze %dma_start3A_22 : memref<1x128x128xf32, #tpu.memory_space<vmem>> -> memref<128x128xf32, #tpu.memory_space<vmem>>
        %dma_start3A_24 = arith.constant 0 : i32
        %dma_start3A_25 = arith.constant 0 : i32
        %dma_start3A_26 = tpu.memref_slice %arg7[%dma_start3A_24, %dma_start3A_25] : memref<10240x128xf32, #tpu.memory_space<vmem_shared>> -> memref<10240x128xf32, #tpu.memory_space<vmem_shared>>
        tpu.enqueue_indirect_dma source(%dma_start3A_23 : memref<128x128xf32, #tpu.memory_space<vmem>>) target(%dma_start3A_26 : memref<10240x128xf32, #tpu.memory_space<vmem_shared>>) offsets(%arg8 : memref<128xi32, #tpu.memory_space<vmem>>) semaphore(%run_scoped3A_20 : memref<!tpu.dma_semaphore, #tpu.memory_space<semaphore_mem>>) {add = true}
        %dma_wait3A = arith.constant 0 : i32
        %dma_wait3A_27 = arith.constant 0 : i32
        %dma_wait3A_28 = tpu.memref_slice %arg10[%run_scoped3A_19, %dma_wait3A, %dma_wait3A_27] : memref<2x128x128xf32, #tpu.memory_space<vmem>> -> memref<1x128x128xf32, #tpu.memory_space<vmem>>
        %dma_wait3A_29 = tpu.memref_squeeze %dma_wait3A_28 : memref<1x128x128xf32, #tpu.memory_space<vmem>> -> memref<128x128xf32, #tpu.memory_space<vmem>>
        %dma_wait3A_30 = arith.constant 0 : i32
        %dma_wait3A_31 = arith.constant 0 : i32
        %dma_wait3A_32 = tpu.memref_slice %arg7[%dma_wait3A_30, %dma_wait3A_31] : memref<10240x128xf32, #tpu.memory_space<vmem_shared>> -> memref<10240x128xf32, #tpu.memory_space<vmem_shared>>
        tpu.wait_indirect_dma semaphore(%run_scoped3A_20 : memref<!tpu.dma_semaphore, #tpu.memory_space<semaphore_mem>>) src(%dma_wait3A_29 : memref<128x128xf32, #tpu.memory_space<vmem>>) dst(%dma_wait3A_32 : memref<10240x128xf32, #tpu.memory_space<vmem_shared>>)
        tpu.yield
      }) : () -> ()
    }
    %scan3A_9 = arith.constant 78 : i32
    %add3A_10 = arith.constant 9984 : i32
    %add3A_11 = arith.addi %mul3A_2, %add3A_10 : i32
    "tpu.region"() ({
      %run_scoped3A_14 = tpu.sem_alloc : memref<!tpu.dma_semaphore, #tpu.memory_space<semaphore_mem>>
      %dma_start3A = tpu.memref_slice %arg2[%add3A_11] : memref<320000xi32, #tpu.memory_space<hbm>> -> memref<16xi32, #tpu.memory_space<hbm>>
      %dma_start3A_15 = tpu.memref_slice %arg2[%add3A_11] : memref<320000xi32, #tpu.memory_space<hbm>> -> memref<16xi32, #tpu.memory_space<hbm>>
      tpu.enqueue_dma source(%dma_start3A_15 : memref<16xi32, #tpu.memory_space<hbm>>) target(%arg9 : memref<16xi32, #tpu.memory_space<vmem>>) target_semaphore(%run_scoped3A_14 : memref<!tpu.dma_semaphore, #tpu.memory_space<semaphore_mem>>)
      %dma_wait3A = tpu.memref_slice %arg2[%add3A_11] : memref<320000xi32, #tpu.memory_space<hbm>> -> memref<16xi32, #tpu.memory_space<hbm>>
      %dma_wait3A_16 = tpu.memref_slice %arg2[%add3A_11] : memref<320000xi32, #tpu.memory_space<hbm>> -> memref<16xi32, #tpu.memory_space<hbm>>
      tpu.wait_dma2 semaphore(%run_scoped3A_14 : memref<!tpu.dma_semaphore, #tpu.memory_space<semaphore_mem>>) src(%dma_wait3A_16 : memref<16xi32, #tpu.memory_space<hbm>>) dst(%arg9 : memref<16xi32, #tpu.memory_space<vmem>>)
      tpu.yield
    }) : () -> ()
    %run_scoped3A = arith.constant 0 : i32
    "tpu.region"() ({
      %run_scoped3A_14 = tpu.sem_alloc : memref<!tpu.dma_semaphore, #tpu.memory_space<semaphore_mem>>
      %dma_start3A = arith.constant 0 : i32
      %dma_start3A_15 = arith.constant 0 : i32
      %dma_start3A_16 = tpu.memref_slice %arg10[%run_scoped3A, %dma_start3A, %dma_start3A_15] : memref<2x128x128xf32, #tpu.memory_space<vmem>> -> memref<1x16x128xf32, #tpu.memory_space<vmem>>
      %dma_start3A_17 = tpu.memref_squeeze %dma_start3A_16 : memref<1x16x128xf32, #tpu.memory_space<vmem>> -> memref<16x128xf32, #tpu.memory_space<vmem>>
      %dma_start3A_18 = arith.constant 0 : i32
      %dma_start3A_19 = arith.constant 0 : i32
      %dma_start3A_20 = tpu.memref_slice %arg7[%dma_start3A_18, %dma_start3A_19] : memref<10240x128xf32, #tpu.memory_space<vmem_shared>> -> memref<10240x128xf32, #tpu.memory_space<vmem_shared>>
      tpu.enqueue_indirect_dma source(%dma_start3A_17 : memref<16x128xf32, #tpu.memory_space<vmem>>) target(%dma_start3A_20 : memref<10240x128xf32, #tpu.memory_space<vmem_shared>>) offsets(%arg9 : memref<16xi32, #tpu.memory_space<vmem>>) semaphore(%run_scoped3A_14 : memref<!tpu.dma_semaphore, #tpu.memory_space<semaphore_mem>>) {add = true}
      %dma_wait3A = arith.constant 0 : i32
      %dma_wait3A_21 = arith.constant 0 : i32
      %dma_wait3A_22 = tpu.memref_slice %arg10[%run_scoped3A, %dma_wait3A, %dma_wait3A_21] : memref<2x128x128xf32, #tpu.memory_space<vmem>> -> memref<1x16x128xf32, #tpu.memory_space<vmem>>
      %dma_wait3A_23 = tpu.memref_squeeze %dma_wait3A_22 : memref<1x16x128xf32, #tpu.memory_space<vmem>> -> memref<16x128xf32, #tpu.memory_space<vmem>>
      %dma_wait3A_24 = arith.constant 0 : i32
      %dma_wait3A_25 = arith.constant 0 : i32
      %dma_wait3A_26 = tpu.memref_slice %arg7[%dma_wait3A_24, %dma_wait3A_25] : memref<10240x128xf32, #tpu.memory_space<vmem_shared>> -> memref<10240x128xf32, #tpu.memory_space<vmem_shared>>
      tpu.wait_indirect_dma semaphore(%run_scoped3A_14 : memref<!tpu.dma_semaphore, #tpu.memory_space<semaphore_mem>>) src(%dma_wait3A_23 : memref<16x128xf32, #tpu.memory_space<vmem>>) dst(%dma_wait3A_26 : memref<10240x128xf32, #tpu.memory_space<vmem_shared>>)
      tpu.yield
    }) : () -> ()
    "tpu.region"() ({
      %run_scoped3A_14 = tpu.sem_alloc : memref<!tpu.dma_semaphore, #tpu.memory_space<semaphore_mem>>
      %dma_start3A = tpu.memref_slice %arg3[%add3A_11] : memref<320000xi32, #tpu.memory_space<hbm>> -> memref<16xi32, #tpu.memory_space<hbm>>
      %dma_start3A_15 = tpu.memref_slice %arg3[%add3A_11] : memref<320000xi32, #tpu.memory_space<hbm>> -> memref<16xi32, #tpu.memory_space<hbm>>
      tpu.enqueue_dma source(%dma_start3A_15 : memref<16xi32, #tpu.memory_space<hbm>>) target(%arg9 : memref<16xi32, #tpu.memory_space<vmem>>) target_semaphore(%run_scoped3A_14 : memref<!tpu.dma_semaphore, #tpu.memory_space<semaphore_mem>>)
      %dma_wait3A = tpu.memref_slice %arg3[%add3A_11] : memref<320000xi32, #tpu.memory_space<hbm>> -> memref<16xi32, #tpu.memory_space<hbm>>
      %dma_wait3A_16 = tpu.memref_slice %arg3[%add3A_11] : memref<320000xi32, #tpu.memory_space<hbm>> -> memref<16xi32, #tpu.memory_space<hbm>>
      tpu.wait_dma2 semaphore(%run_scoped3A_14 : memref<!tpu.dma_semaphore, #tpu.memory_space<semaphore_mem>>) src(%dma_wait3A_16 : memref<16xi32, #tpu.memory_space<hbm>>) dst(%arg9 : memref<16xi32, #tpu.memory_space<vmem>>)
      tpu.yield
    }) : () -> ()
    %run_scoped3A_12 = arith.constant 1 : i32
    "tpu.region"() ({
      %run_scoped3A_14 = tpu.sem_alloc : memref<!tpu.dma_semaphore, #tpu.memory_space<semaphore_mem>>
      %dma_start3A = arith.constant 0 : i32
      %dma_start3A_15 = arith.constant 0 : i32
      %dma_start3A_16 = tpu.memref_slice %arg10[%run_scoped3A_12, %dma_start3A, %dma_start3A_15] : memref<2x128x128xf32, #tpu.memory_space<vmem>> -> memref<1x16x128xf32, #tpu.memory_space<vmem>>
      %dma_start3A_17 = tpu.memref_squeeze %dma_start3A_16 : memref<1x16x128xf32, #tpu.memory_space<vmem>> -> memref<16x128xf32, #tpu.memory_space<vmem>>
      %dma_start3A_18 = arith.constant 0 : i32
      %dma_start3A_19 = arith.constant 0 : i32
      %dma_start3A_20 = tpu.memref_slice %arg7[%dma_start3A_18, %dma_start3A_19] : memref<10240x128xf32, #tpu.memory_space<vmem_shared>> -> memref<10240x128xf32, #tpu.memory_space<vmem_shared>>
      tpu.enqueue_indirect_dma source(%dma_start3A_17 : memref<16x128xf32, #tpu.memory_space<vmem>>) target(%dma_start3A_20 : memref<10240x128xf32, #tpu.memory_space<vmem_shared>>) offsets(%arg9 : memref<16xi32, #tpu.memory_space<vmem>>) semaphore(%run_scoped3A_14 : memref<!tpu.dma_semaphore, #tpu.memory_space<semaphore_mem>>) {add = true}
      %dma_wait3A = arith.constant 0 : i32
      %dma_wait3A_21 = arith.constant 0 : i32
      %dma_wait3A_22 = tpu.memref_slice %arg10[%run_scoped3A_12, %dma_wait3A, %dma_wait3A_21] : memref<2x128x128xf32, #tpu.memory_space<vmem>> -> memref<1x16x128xf32, #tpu.memory_space<vmem>>
      %dma_wait3A_23 = tpu.memref_squeeze %dma_wait3A_22 : memref<1x16x128xf32, #tpu.memory_space<vmem>> -> memref<16x128xf32, #tpu.memory_space<vmem>>
      %dma_wait3A_24 = arith.constant 0 : i32
      %dma_wait3A_25 = arith.constant 0 : i32
      %dma_wait3A_26 = tpu.memref_slice %arg7[%dma_wait3A_24, %dma_wait3A_25] : memref<10240x128xf32, #tpu.memory_space<vmem_shared>> -> memref<10240x128xf32, #tpu.memory_space<vmem_shared>>
      tpu.wait_indirect_dma semaphore(%run_scoped3A_14 : memref<!tpu.dma_semaphore, #tpu.memory_space<semaphore_mem>>) src(%dma_wait3A_23 : memref<16x128xf32, #tpu.memory_space<vmem>>) dst(%dma_wait3A_26 : memref<10240x128xf32, #tpu.memory_space<vmem_shared>>)
      tpu.yield
    }) : () -> ()
    %barrier3A_13 = arith.constant 0 : index
    tpu.barrier barrier_id(%barrier3A_13)
    "tpu.region"() ({
      %run_scoped3A_14 = tpu.sem_alloc : memref<!tpu.dma_semaphore, #tpu.memory_space<semaphore_mem>>
      %dma_start3A = arith.constant 0 : i32
      %dma_start3A_15 = tpu.memref_slice %arg6[%arg0, %mul3A_4, %dma_start3A] : memref<2x10240x128xf32, #tpu.memory_space<hbm>> -> memref<1x640x128xf32, #tpu.memory_space<hbm>>
      %dma_start3A_16 = tpu.memref_squeeze %dma_start3A_15 : memref<1x640x128xf32, #tpu.memory_space<hbm>> -> memref<640x128xf32, #tpu.memory_space<hbm>>
      %dma_start3A_17 = arith.constant 0 : i32
      %dma_start3A_18 = tpu.memref_slice %arg7[%mul3A_4, %dma_start3A_17] : memref<10240x128xf32, #tpu.memory_space<vmem_shared>> -> memref<640x128xf32, #tpu.memory_space<vmem_shared>>
      tpu.enqueue_dma source(%dma_start3A_18 : memref<640x128xf32, #tpu.memory_space<vmem_shared>>) target(%dma_start3A_16 : memref<640x128xf32, #tpu.memory_space<hbm>>) target_semaphore(%run_scoped3A_14 : memref<!tpu.dma_semaphore, #tpu.memory_space<semaphore_mem>>)
      %dma_wait3A = arith.constant 0 : i32
      %dma_wait3A_19 = tpu.memref_slice %arg6[%arg0, %mul3A_4, %dma_wait3A] : memref<2x10240x128xf32, #tpu.memory_space<hbm>> -> memref<1x640x128xf32, #tpu.memory_space<hbm>>
      %dma_wait3A_20 = tpu.memref_squeeze %dma_wait3A_19 : memref<1x640x128xf32, #tpu.memory_space<hbm>> -> memref<640x128xf32, #tpu.memory_space<hbm>>
      %dma_wait3A_21 = arith.constant 0 : i32
      %dma_wait3A_22 = tpu.memref_slice %arg7[%mul3A_4, %dma_wait3A_21] : memref<10240x128xf32, #tpu.memory_space<vmem_shared>> -> memref<640x128xf32, #tpu.memory_space<vmem_shared>>
      tpu.wait_dma2 semaphore(%run_scoped3A_14 : memref<!tpu.dma_semaphore, #tpu.memory_space<semaphore_mem>>) src(%dma_wait3A_22 : memref<640x128xf32, #tpu.memory_space<vmem_shared>>) dst(%dma_wait3A_20 : memref<640x128xf32, #tpu.memory_space<hbm>>)
      tpu.yield
    }) : () -> ()
    return
  }
}

#map = affine_map<(d0, d1) -> (0)>
#map1 = affine_map<(d0, d1) -> (0, 0)>
#map2 = affine_map<(d0, d1) -> (0, 0, 0)>
module attributes {stable_mosaic.version = 14 : i64} {
  func.func @_pass_body(%arg0: i32, %arg1: i32, %arg2: memref<320000xi32, #tpu.memory_space<hbm>>, %arg3: memref<320000xi32, #tpu.memory_space<hbm>>, %arg4: memref<10000x128xf32, #tpu.memory_space<hbm>>, %arg5: memref<10240x128xf32, #tpu.memory_space<hbm>>, %arg6: memref<2x10240x128xf32, #tpu.memory_space<hbm>>, %arg7: memref<10240x128xf32, #tpu.memory_space<vmem_shared>>, %arg8: memref<128xi32, #tpu.memory_space<vmem>>, %arg9: memref<128xi32, #tpu.memory_space<vmem>>, %arg10: memref<128xi32, #tpu.memory_space<vmem>>, %arg11: memref<128xi32, #tpu.memory_space<vmem>>, %arg12: memref<16xi32, #tpu.memory_space<vmem>>, %arg13: memref<16xi32, #tpu.memory_space<vmem>>, %arg14: memref<128x128xf32, #tpu.memory_space<vmem>>, %arg15: memref<128x128xf32, #tpu.memory_space<vmem>>, %arg16: memref<16x128xf32, #tpu.memory_space<vmem>>, %arg17: memref<!tpu.dma_semaphore, #tpu.memory_space<semaphore_mem>>, %arg18: memref<!tpu.dma_semaphore, #tpu.memory_space<semaphore_mem>>, %arg19: memref<!tpu.dma_semaphore, #tpu.memory_space<semaphore_mem>>) attributes {dimension_semantics = [#tpu.dimension_semantics<core_parallel>, #tpu.dimension_semantics<subcore_parallel>], iteration_bounds = array<i64: 2, 16>, scalar_prefetch = 0 : i64, scratch_operands = 13 : i64, tpu.core_type = #tpu.core_type<sc_vector_subcore>, window_params = [{transform_indices = #map}, {transform_indices = #map}, {transform_indices = #map1}, {transform_indices = #map1}, {transform_indices = #map2}]} {
    %mul3A = arith.constant 16 : i32
    %mul3A_0 = arith.muli %arg0, %mul3A : i32
    %add3A = arith.addi %mul3A_0, %arg1 : i32
    %mul3A_1 = arith.constant 10000 : i32
    %mul3A_2 = arith.muli %add3A, %mul3A_1 : i32
    %mul3A_3 = arith.constant 640 : i32
    %mul3A_4 = arith.muli %arg1, %mul3A_3 : i32
    "tpu.region"() ({
      %run_scoped3A = tpu.sem_alloc : memref<!tpu.dma_semaphore, #tpu.memory_space<semaphore_mem>>
      %dma_start3A_20 = arith.constant 0 : i32
      %dma_start3A_21 = tpu.memref_slice %arg7[%mul3A_4, %dma_start3A_20] : memref<10240x128xf32, #tpu.memory_space<vmem_shared>> -> memref<640x128xf32, #tpu.memory_space<vmem_shared>>
      %dma_start3A_22 = arith.constant 0 : i32
      %dma_start3A_23 = tpu.memref_slice %arg5[%mul3A_4, %dma_start3A_22] : memref<10240x128xf32, #tpu.memory_space<hbm>> -> memref<640x128xf32, #tpu.memory_space<hbm>>
      tpu.enqueue_dma source(%dma_start3A_23 : memref<640x128xf32, #tpu.memory_space<hbm>>) target(%dma_start3A_21 : memref<640x128xf32, #tpu.memory_space<vmem_shared>>) target_semaphore(%run_scoped3A : memref<!tpu.dma_semaphore, #tpu.memory_space<semaphore_mem>>)
      %dma_wait3A_24 = arith.constant 0 : i32
      %dma_wait3A_25 = tpu.memref_slice %arg7[%mul3A_4, %dma_wait3A_24] : memref<10240x128xf32, #tpu.memory_space<vmem_shared>> -> memref<640x128xf32, #tpu.memory_space<vmem_shared>>
      %dma_wait3A_26 = arith.constant 0 : i32
      %dma_wait3A_27 = tpu.memref_slice %arg5[%mul3A_4, %dma_wait3A_26] : memref<10240x128xf32, #tpu.memory_space<hbm>> -> memref<640x128xf32, #tpu.memory_space<hbm>>
      tpu.wait_dma2 semaphore(%run_scoped3A : memref<!tpu.dma_semaphore, #tpu.memory_space<semaphore_mem>>) src(%dma_wait3A_27 : memref<640x128xf32, #tpu.memory_space<hbm>>) dst(%dma_wait3A_25 : memref<640x128xf32, #tpu.memory_space<vmem_shared>>)
      tpu.yield
    }) : () -> ()
    %barrier3A = arith.constant 0 : index
    tpu.barrier barrier_id(%barrier3A)
    "tpu.region"() ({
      %run_scoped3A = tpu.sem_alloc : memref<!tpu.dma_semaphore, #tpu.memory_space<semaphore_mem>>
      %dma_start3A_20 = tpu.memref_slice %arg2[%mul3A_2] : memref<320000xi32, #tpu.memory_space<hbm>> -> memref<128xi32, #tpu.memory_space<hbm>>
      %dma_start3A_21 = tpu.memref_slice %arg2[%mul3A_2] : memref<320000xi32, #tpu.memory_space<hbm>> -> memref<128xi32, #tpu.memory_space<hbm>>
      tpu.enqueue_dma source(%dma_start3A_21 : memref<128xi32, #tpu.memory_space<hbm>>) target(%arg8 : memref<128xi32, #tpu.memory_space<vmem>>) target_semaphore(%run_scoped3A : memref<!tpu.dma_semaphore, #tpu.memory_space<semaphore_mem>>)
      %dma_wait3A_22 = tpu.memref_slice %arg2[%mul3A_2] : memref<320000xi32, #tpu.memory_space<hbm>> -> memref<128xi32, #tpu.memory_space<hbm>>
      %dma_wait3A_23 = tpu.memref_slice %arg2[%mul3A_2] : memref<320000xi32, #tpu.memory_space<hbm>> -> memref<128xi32, #tpu.memory_space<hbm>>
      tpu.wait_dma2 semaphore(%run_scoped3A : memref<!tpu.dma_semaphore, #tpu.memory_space<semaphore_mem>>) src(%dma_wait3A_23 : memref<128xi32, #tpu.memory_space<hbm>>) dst(%arg8 : memref<128xi32, #tpu.memory_space<vmem>>)
      tpu.yield
    }) : () -> ()
    %dma_start3A = arith.constant 0 : i32
    %dma_start3A_5 = arith.constant 0 : i32
    %dma_start3A_6 = tpu.memref_slice %arg4[%dma_start3A, %dma_start3A_5] : memref<10000x128xf32, #tpu.memory_space<hbm>> -> memref<10000x128xf32, #tpu.memory_space<hbm>>
    tpu.enqueue_indirect_dma source(%dma_start3A_6 : memref<10000x128xf32, #tpu.memory_space<hbm>>) target(%arg14 : memref<128x128xf32, #tpu.memory_space<vmem>>) offsets(%arg8 : memref<128xi32, #tpu.memory_space<vmem>>) semaphore(%arg17 : memref<!tpu.dma_semaphore, #tpu.memory_space<semaphore_mem>>)
    %scan3A = arith.constant 0 : i32
    %scan3A_7 = arith.constant 0 : i32
    %scan3A_8 = arith.constant 39 : i32
    %scan3A_9 = arith.addi %scan3A_7, %scan3A_8 : i32
    %scan3A_10 = arith.constant 1 : i32
    scf.for %scan3A_20 = %scan3A_7 to %scan3A_9 step %scan3A_10  : i32 {
      %mul3A_21 = arith.constant 2 : i32
      %mul3A_22 = arith.muli %mul3A_21, %scan3A_20 : i32
      %add3A_23 = arith.constant 1 : i32
      %add3A_24 = arith.addi %mul3A_22, %add3A_23 : i32
      %mul3A_25 = arith.constant 128 : i32
      %mul3A_26 = arith.muli %add3A_24, %mul3A_25 : i32
      %add3A_27 = arith.addi %mul3A_2, %mul3A_26 : i32
      "tpu.region"() ({
        %run_scoped3A = tpu.sem_alloc : memref<!tpu.dma_semaphore, #tpu.memory_space<semaphore_mem>>
        %dma_start3A_40 = tpu.memref_slice %arg2[%add3A_27] : memref<320000xi32, #tpu.memory_space<hbm>> -> memref<128xi32, #tpu.memory_space<hbm>>
        %dma_start3A_41 = tpu.memref_slice %arg2[%add3A_27] : memref<320000xi32, #tpu.memory_space<hbm>> -> memref<128xi32, #tpu.memory_space<hbm>>
        tpu.enqueue_dma source(%dma_start3A_41 : memref<128xi32, #tpu.memory_space<hbm>>) target(%arg9 : memref<128xi32, #tpu.memory_space<vmem>>) target_semaphore(%run_scoped3A : memref<!tpu.dma_semaphore, #tpu.memory_space<semaphore_mem>>)
        %dma_wait3A_42 = tpu.memref_slice %arg2[%add3A_27] : memref<320000xi32, #tpu.memory_space<hbm>> -> memref<128xi32, #tpu.memory_space<hbm>>
        %dma_wait3A_43 = tpu.memref_slice %arg2[%add3A_27] : memref<320000xi32, #tpu.memory_space<hbm>> -> memref<128xi32, #tpu.memory_space<hbm>>
        tpu.wait_dma2 semaphore(%run_scoped3A : memref<!tpu.dma_semaphore, #tpu.memory_space<semaphore_mem>>) src(%dma_wait3A_43 : memref<128xi32, #tpu.memory_space<hbm>>) dst(%arg9 : memref<128xi32, #tpu.memory_space<vmem>>)
        tpu.yield
      }) : () -> ()
      %dma_start3A_28 = arith.constant 0 : i32
      %dma_start3A_29 = arith.constant 0 : i32
      %dma_start3A_30 = tpu.memref_slice %arg4[%dma_start3A_28, %dma_start3A_29] : memref<10000x128xf32, #tpu.memory_space<hbm>> -> memref<10000x128xf32, #tpu.memory_space<hbm>>
      tpu.enqueue_indirect_dma source(%dma_start3A_30 : memref<10000x128xf32, #tpu.memory_space<hbm>>) target(%arg15 : memref<128x128xf32, #tpu.memory_space<vmem>>) offsets(%arg9 : memref<128xi32, #tpu.memory_space<vmem>>) semaphore(%arg18 : memref<!tpu.dma_semaphore, #tpu.memory_space<semaphore_mem>>)
      %dma_wait3A_31 = arith.constant 0 : i32
      %dma_wait3A_32 = arith.constant 0 : i32
      %dma_wait3A_33 = tpu.memref_slice %arg4[%dma_wait3A_31, %dma_wait3A_32] : memref<10000x128xf32, #tpu.memory_space<hbm>> -> memref<10000x128xf32, #tpu.memory_space<hbm>>
      tpu.wait_indirect_dma semaphore(%arg17 : memref<!tpu.dma_semaphore, #tpu.memory_space<semaphore_mem>>) src(%dma_wait3A_33 : memref<10000x128xf32, #tpu.memory_space<hbm>>) dst(%arg14 : memref<128x128xf32, #tpu.memory_space<vmem>>)
      %sub3A = arith.constant 128 : i32
      %sub3A_34 = arith.subi %add3A_27, %sub3A : i32
      "tpu.region"() ({
        %run_scoped3A = tpu.sem_alloc : memref<!tpu.dma_semaphore, #tpu.memory_space<semaphore_mem>>
        %dma_start3A_40 = tpu.memref_slice %arg3[%sub3A_34] : memref<320000xi32, #tpu.memory_space<hbm>> -> memref<128xi32, #tpu.memory_space<hbm>>
        %dma_start3A_41 = tpu.memref_slice %arg3[%sub3A_34] : memref<320000xi32, #tpu.memory_space<hbm>> -> memref<128xi32, #tpu.memory_space<hbm>>
        tpu.enqueue_dma source(%dma_start3A_41 : memref<128xi32, #tpu.memory_space<hbm>>) target(%arg10 : memref<128xi32, #tpu.memory_space<vmem>>) target_semaphore(%run_scoped3A : memref<!tpu.dma_semaphore, #tpu.memory_space<semaphore_mem>>)
        %dma_wait3A_42 = tpu.memref_slice %arg3[%sub3A_34] : memref<320000xi32, #tpu.memory_space<hbm>> -> memref<128xi32, #tpu.memory_space<hbm>>
        %dma_wait3A_43 = tpu.memref_slice %arg3[%sub3A_34] : memref<320000xi32, #tpu.memory_space<hbm>> -> memref<128xi32, #tpu.memory_space<hbm>>
        tpu.wait_dma2 semaphore(%run_scoped3A : memref<!tpu.dma_semaphore, #tpu.memory_space<semaphore_mem>>) src(%dma_wait3A_43 : memref<128xi32, #tpu.memory_space<hbm>>) dst(%arg10 : memref<128xi32, #tpu.memory_space<vmem>>)
        tpu.yield
      }) : () -> ()
      "tpu.region"() ({
        %run_scoped3A = tpu.sem_alloc : memref<!tpu.dma_semaphore, #tpu.memory_space<semaphore_mem>>
        %dma_start3A_40 = arith.constant 0 : i32
        %dma_start3A_41 = arith.constant 0 : i32
        %dma_start3A_42 = tpu.memref_slice %arg7[%dma_start3A_40, %dma_start3A_41] : memref<10240x128xf32, #tpu.memory_space<vmem_shared>> -> memref<10240x128xf32, #tpu.memory_space<vmem_shared>>
        tpu.enqueue_indirect_dma source(%arg14 : memref<128x128xf32, #tpu.memory_space<vmem>>) target(%dma_start3A_42 : memref<10240x128xf32, #tpu.memory_space<vmem_shared>>) offsets(%arg10 : memref<128xi32, #tpu.memory_space<vmem>>) semaphore(%run_scoped3A : memref<!tpu.dma_semaphore, #tpu.memory_space<semaphore_mem>>) {add = true}
        %dma_wait3A_43 = arith.constant 0 : i32
        %dma_wait3A_44 = arith.constant 0 : i32
        %dma_wait3A_45 = tpu.memref_slice %arg7[%dma_wait3A_43, %dma_wait3A_44] : memref<10240x128xf32, #tpu.memory_space<vmem_shared>> -> memref<10240x128xf32, #tpu.memory_space<vmem_shared>>
        tpu.wait_indirect_dma semaphore(%run_scoped3A : memref<!tpu.dma_semaphore, #tpu.memory_space<semaphore_mem>>) src(%arg14 : memref<128x128xf32, #tpu.memory_space<vmem>>) dst(%dma_wait3A_45 : memref<10240x128xf32, #tpu.memory_space<vmem_shared>>)
        tpu.yield
      }) : () -> ()
      %lt3A = arith.constant 38 : i32
      %lt3A_35 = arith.cmpi slt, %scan3A_20, %lt3A : i32
      %convert_element_type3A = arith.extui %lt3A_35 : i1 to i32
      %cond3A = arith.constant 0 : i32
      %cond3A_36 = arith.cmpi ne, %convert_element_type3A, %cond3A : i32
      scf.if %cond3A_36 {
        %add3A_40 = arith.constant 128 : i32
        %add3A_41 = arith.addi %add3A_27, %add3A_40 : i32
        "tpu.region"() ({
          %run_scoped3A = tpu.sem_alloc : memref<!tpu.dma_semaphore, #tpu.memory_space<semaphore_mem>>
          %dma_start3A_45 = tpu.memref_slice %arg2[%add3A_41] : memref<320000xi32, #tpu.memory_space<hbm>> -> memref<128xi32, #tpu.memory_space<hbm>>
          %dma_start3A_46 = tpu.memref_slice %arg2[%add3A_41] : memref<320000xi32, #tpu.memory_space<hbm>> -> memref<128xi32, #tpu.memory_space<hbm>>
          tpu.enqueue_dma source(%dma_start3A_46 : memref<128xi32, #tpu.memory_space<hbm>>) target(%arg8 : memref<128xi32, #tpu.memory_space<vmem>>) target_semaphore(%run_scoped3A : memref<!tpu.dma_semaphore, #tpu.memory_space<semaphore_mem>>)
          %dma_wait3A_47 = tpu.memref_slice %arg2[%add3A_41] : memref<320000xi32, #tpu.memory_space<hbm>> -> memref<128xi32, #tpu.memory_space<hbm>>
          %dma_wait3A_48 = tpu.memref_slice %arg2[%add3A_41] : memref<320000xi32, #tpu.memory_space<hbm>> -> memref<128xi32, #tpu.memory_space<hbm>>
          tpu.wait_dma2 semaphore(%run_scoped3A : memref<!tpu.dma_semaphore, #tpu.memory_space<semaphore_mem>>) src(%dma_wait3A_48 : memref<128xi32, #tpu.memory_space<hbm>>) dst(%arg8 : memref<128xi32, #tpu.memory_space<vmem>>)
          tpu.yield
        }) : () -> ()
        %dma_start3A_42 = arith.constant 0 : i32
        %dma_start3A_43 = arith.constant 0 : i32
        %dma_start3A_44 = tpu.memref_slice %arg4[%dma_start3A_42, %dma_start3A_43] : memref<10000x128xf32, #tpu.memory_space<hbm>> -> memref<10000x128xf32, #tpu.memory_space<hbm>>
        tpu.enqueue_indirect_dma source(%dma_start3A_44 : memref<10000x128xf32, #tpu.memory_space<hbm>>) target(%arg14 : memref<128x128xf32, #tpu.memory_space<vmem>>) offsets(%arg8 : memref<128xi32, #tpu.memory_space<vmem>>) semaphore(%arg17 : memref<!tpu.dma_semaphore, #tpu.memory_space<semaphore_mem>>)
      } else {
      }
      %dma_wait3A_37 = arith.constant 0 : i32
      %dma_wait3A_38 = arith.constant 0 : i32
      %dma_wait3A_39 = tpu.memref_slice %arg4[%dma_wait3A_37, %dma_wait3A_38] : memref<10000x128xf32, #tpu.memory_space<hbm>> -> memref<10000x128xf32, #tpu.memory_space<hbm>>
      tpu.wait_indirect_dma semaphore(%arg18 : memref<!tpu.dma_semaphore, #tpu.memory_space<semaphore_mem>>) src(%dma_wait3A_39 : memref<10000x128xf32, #tpu.memory_space<hbm>>) dst(%arg15 : memref<128x128xf32, #tpu.memory_space<vmem>>)
      "tpu.region"() ({
        %run_scoped3A = tpu.sem_alloc : memref<!tpu.dma_semaphore, #tpu.memory_space<semaphore_mem>>
        %dma_start3A_40 = tpu.memref_slice %arg3[%add3A_27] : memref<320000xi32, #tpu.memory_space<hbm>> -> memref<128xi32, #tpu.memory_space<hbm>>
        %dma_start3A_41 = tpu.memref_slice %arg3[%add3A_27] : memref<320000xi32, #tpu.memory_space<hbm>> -> memref<128xi32, #tpu.memory_space<hbm>>
        tpu.enqueue_dma source(%dma_start3A_41 : memref<128xi32, #tpu.memory_space<hbm>>) target(%arg11 : memref<128xi32, #tpu.memory_space<vmem>>) target_semaphore(%run_scoped3A : memref<!tpu.dma_semaphore, #tpu.memory_space<semaphore_mem>>)
        %dma_wait3A_42 = tpu.memref_slice %arg3[%add3A_27] : memref<320000xi32, #tpu.memory_space<hbm>> -> memref<128xi32, #tpu.memory_space<hbm>>
        %dma_wait3A_43 = tpu.memref_slice %arg3[%add3A_27] : memref<320000xi32, #tpu.memory_space<hbm>> -> memref<128xi32, #tpu.memory_space<hbm>>
        tpu.wait_dma2 semaphore(%run_scoped3A : memref<!tpu.dma_semaphore, #tpu.memory_space<semaphore_mem>>) src(%dma_wait3A_43 : memref<128xi32, #tpu.memory_space<hbm>>) dst(%arg11 : memref<128xi32, #tpu.memory_space<vmem>>)
        tpu.yield
      }) : () -> ()
      "tpu.region"() ({
        %run_scoped3A = tpu.sem_alloc : memref<!tpu.dma_semaphore, #tpu.memory_space<semaphore_mem>>
        %dma_start3A_40 = arith.constant 0 : i32
        %dma_start3A_41 = arith.constant 0 : i32
        %dma_start3A_42 = tpu.memref_slice %arg7[%dma_start3A_40, %dma_start3A_41] : memref<10240x128xf32, #tpu.memory_space<vmem_shared>> -> memref<10240x128xf32, #tpu.memory_space<vmem_shared>>
        tpu.enqueue_indirect_dma source(%arg15 : memref<128x128xf32, #tpu.memory_space<vmem>>) target(%dma_start3A_42 : memref<10240x128xf32, #tpu.memory_space<vmem_shared>>) offsets(%arg11 : memref<128xi32, #tpu.memory_space<vmem>>) semaphore(%run_scoped3A : memref<!tpu.dma_semaphore, #tpu.memory_space<semaphore_mem>>) {add = true}
        %dma_wait3A_43 = arith.constant 0 : i32
        %dma_wait3A_44 = arith.constant 0 : i32
        %dma_wait3A_45 = tpu.memref_slice %arg7[%dma_wait3A_43, %dma_wait3A_44] : memref<10240x128xf32, #tpu.memory_space<vmem_shared>> -> memref<10240x128xf32, #tpu.memory_space<vmem_shared>>
        tpu.wait_indirect_dma semaphore(%run_scoped3A : memref<!tpu.dma_semaphore, #tpu.memory_space<semaphore_mem>>) src(%arg15 : memref<128x128xf32, #tpu.memory_space<vmem>>) dst(%dma_wait3A_45 : memref<10240x128xf32, #tpu.memory_space<vmem_shared>>)
        tpu.yield
      }) : () -> ()
    }
    %scan3A_11 = arith.constant 39 : i32
    %add3A_12 = arith.constant 9984 : i32
    %add3A_13 = arith.addi %mul3A_2, %add3A_12 : i32
    "tpu.region"() ({
      %run_scoped3A = tpu.sem_alloc : memref<!tpu.dma_semaphore, #tpu.memory_space<semaphore_mem>>
      %dma_start3A_20 = tpu.memref_slice %arg2[%add3A_13] : memref<320000xi32, #tpu.memory_space<hbm>> -> memref<16xi32, #tpu.memory_space<hbm>>
      %dma_start3A_21 = tpu.memref_slice %arg2[%add3A_13] : memref<320000xi32, #tpu.memory_space<hbm>> -> memref<16xi32, #tpu.memory_space<hbm>>
      tpu.enqueue_dma source(%dma_start3A_21 : memref<16xi32, #tpu.memory_space<hbm>>) target(%arg12 : memref<16xi32, #tpu.memory_space<vmem>>) target_semaphore(%run_scoped3A : memref<!tpu.dma_semaphore, #tpu.memory_space<semaphore_mem>>)
      %dma_wait3A_22 = tpu.memref_slice %arg2[%add3A_13] : memref<320000xi32, #tpu.memory_space<hbm>> -> memref<16xi32, #tpu.memory_space<hbm>>
      %dma_wait3A_23 = tpu.memref_slice %arg2[%add3A_13] : memref<320000xi32, #tpu.memory_space<hbm>> -> memref<16xi32, #tpu.memory_space<hbm>>
      tpu.wait_dma2 semaphore(%run_scoped3A : memref<!tpu.dma_semaphore, #tpu.memory_space<semaphore_mem>>) src(%dma_wait3A_23 : memref<16xi32, #tpu.memory_space<hbm>>) dst(%arg12 : memref<16xi32, #tpu.memory_space<vmem>>)
      tpu.yield
    }) : () -> ()
    %dma_start3A_14 = arith.constant 0 : i32
    %dma_start3A_15 = arith.constant 0 : i32
    %dma_start3A_16 = tpu.memref_slice %arg4[%dma_start3A_14, %dma_start3A_15] : memref<10000x128xf32, #tpu.memory_space<hbm>> -> memref<10000x128xf32, #tpu.memory_space<hbm>>
    tpu.enqueue_indirect_dma source(%dma_start3A_16 : memref<10000x128xf32, #tpu.memory_space<hbm>>) target(%arg16 : memref<16x128xf32, #tpu.memory_space<vmem>>) offsets(%arg12 : memref<16xi32, #tpu.memory_space<vmem>>) semaphore(%arg19 : memref<!tpu.dma_semaphore, #tpu.memory_space<semaphore_mem>>)
    %dma_wait3A = arith.constant 0 : i32
    %dma_wait3A_17 = arith.constant 0 : i32
    %dma_wait3A_18 = tpu.memref_slice %arg4[%dma_wait3A, %dma_wait3A_17] : memref<10000x128xf32, #tpu.memory_space<hbm>> -> memref<10000x128xf32, #tpu.memory_space<hbm>>
    tpu.wait_indirect_dma semaphore(%arg19 : memref<!tpu.dma_semaphore, #tpu.memory_space<semaphore_mem>>) src(%dma_wait3A_18 : memref<10000x128xf32, #tpu.memory_space<hbm>>) dst(%arg16 : memref<16x128xf32, #tpu.memory_space<vmem>>)
    "tpu.region"() ({
      %run_scoped3A = tpu.sem_alloc : memref<!tpu.dma_semaphore, #tpu.memory_space<semaphore_mem>>
      %dma_start3A_20 = tpu.memref_slice %arg3[%add3A_13] : memref<320000xi32, #tpu.memory_space<hbm>> -> memref<16xi32, #tpu.memory_space<hbm>>
      %dma_start3A_21 = tpu.memref_slice %arg3[%add3A_13] : memref<320000xi32, #tpu.memory_space<hbm>> -> memref<16xi32, #tpu.memory_space<hbm>>
      tpu.enqueue_dma source(%dma_start3A_21 : memref<16xi32, #tpu.memory_space<hbm>>) target(%arg13 : memref<16xi32, #tpu.memory_space<vmem>>) target_semaphore(%run_scoped3A : memref<!tpu.dma_semaphore, #tpu.memory_space<semaphore_mem>>)
      %dma_wait3A_22 = tpu.memref_slice %arg3[%add3A_13] : memref<320000xi32, #tpu.memory_space<hbm>> -> memref<16xi32, #tpu.memory_space<hbm>>
      %dma_wait3A_23 = tpu.memref_slice %arg3[%add3A_13] : memref<320000xi32, #tpu.memory_space<hbm>> -> memref<16xi32, #tpu.memory_space<hbm>>
      tpu.wait_dma2 semaphore(%run_scoped3A : memref<!tpu.dma_semaphore, #tpu.memory_space<semaphore_mem>>) src(%dma_wait3A_23 : memref<16xi32, #tpu.memory_space<hbm>>) dst(%arg13 : memref<16xi32, #tpu.memory_space<vmem>>)
      tpu.yield
    }) : () -> ()
    "tpu.region"() ({
      %run_scoped3A = tpu.sem_alloc : memref<!tpu.dma_semaphore, #tpu.memory_space<semaphore_mem>>
      %dma_start3A_20 = arith.constant 0 : i32
      %dma_start3A_21 = arith.constant 0 : i32
      %dma_start3A_22 = tpu.memref_slice %arg7[%dma_start3A_20, %dma_start3A_21] : memref<10240x128xf32, #tpu.memory_space<vmem_shared>> -> memref<10240x128xf32, #tpu.memory_space<vmem_shared>>
      tpu.enqueue_indirect_dma source(%arg16 : memref<16x128xf32, #tpu.memory_space<vmem>>) target(%dma_start3A_22 : memref<10240x128xf32, #tpu.memory_space<vmem_shared>>) offsets(%arg13 : memref<16xi32, #tpu.memory_space<vmem>>) semaphore(%run_scoped3A : memref<!tpu.dma_semaphore, #tpu.memory_space<semaphore_mem>>) {add = true}
      %dma_wait3A_23 = arith.constant 0 : i32
      %dma_wait3A_24 = arith.constant 0 : i32
      %dma_wait3A_25 = tpu.memref_slice %arg7[%dma_wait3A_23, %dma_wait3A_24] : memref<10240x128xf32, #tpu.memory_space<vmem_shared>> -> memref<10240x128xf32, #tpu.memory_space<vmem_shared>>
      tpu.wait_indirect_dma semaphore(%run_scoped3A : memref<!tpu.dma_semaphore, #tpu.memory_space<semaphore_mem>>) src(%arg16 : memref<16x128xf32, #tpu.memory_space<vmem>>) dst(%dma_wait3A_25 : memref<10240x128xf32, #tpu.memory_space<vmem_shared>>)
      tpu.yield
    }) : () -> ()
    %barrier3A_19 = arith.constant 0 : index
    tpu.barrier barrier_id(%barrier3A_19)
    "tpu.region"() ({
      %run_scoped3A = tpu.sem_alloc : memref<!tpu.dma_semaphore, #tpu.memory_space<semaphore_mem>>
      %dma_start3A_20 = arith.constant 0 : i32
      %dma_start3A_21 = tpu.memref_slice %arg6[%arg0, %mul3A_4, %dma_start3A_20] : memref<2x10240x128xf32, #tpu.memory_space<hbm>> -> memref<1x640x128xf32, #tpu.memory_space<hbm>>
      %dma_start3A_22 = tpu.memref_squeeze %dma_start3A_21 : memref<1x640x128xf32, #tpu.memory_space<hbm>> -> memref<640x128xf32, #tpu.memory_space<hbm>>
      %dma_start3A_23 = arith.constant 0 : i32
      %dma_start3A_24 = tpu.memref_slice %arg7[%mul3A_4, %dma_start3A_23] : memref<10240x128xf32, #tpu.memory_space<vmem_shared>> -> memref<640x128xf32, #tpu.memory_space<vmem_shared>>
      tpu.enqueue_dma source(%dma_start3A_24 : memref<640x128xf32, #tpu.memory_space<vmem_shared>>) target(%dma_start3A_22 : memref<640x128xf32, #tpu.memory_space<hbm>>) target_semaphore(%run_scoped3A : memref<!tpu.dma_semaphore, #tpu.memory_space<semaphore_mem>>)
      %dma_wait3A_25 = arith.constant 0 : i32
      %dma_wait3A_26 = tpu.memref_slice %arg6[%arg0, %mul3A_4, %dma_wait3A_25] : memref<2x10240x128xf32, #tpu.memory_space<hbm>> -> memref<1x640x128xf32, #tpu.memory_space<hbm>>
      %dma_wait3A_27 = tpu.memref_squeeze %dma_wait3A_26 : memref<1x640x128xf32, #tpu.memory_space<hbm>> -> memref<640x128xf32, #tpu.memory_space<hbm>>
      %dma_wait3A_28 = arith.constant 0 : i32
      %dma_wait3A_29 = tpu.memref_slice %arg7[%mul3A_4, %dma_wait3A_28] : memref<10240x128xf32, #tpu.memory_space<vmem_shared>> -> memref<640x128xf32, #tpu.memory_space<vmem_shared>>
      tpu.wait_dma2 semaphore(%run_scoped3A : memref<!tpu.dma_semaphore, #tpu.memory_space<semaphore_mem>>) src(%dma_wait3A_29 : memref<640x128xf32, #tpu.memory_space<vmem_shared>>) dst(%dma_wait3A_27 : memref<640x128xf32, #tpu.memory_space<hbm>>)
      tpu.yield
    }) : () -> ()
    return
  }
}

#map = affine_map<(d0, d1) -> (0)>
#map1 = affine_map<(d0, d1) -> (0, 0)>
#map2 = affine_map<(d0, d1) -> (0, 0, 0)>
module attributes {stable_mosaic.version = 14 : i64} {
  func.func @_pass_body(%arg0: i32, %arg1: i32, %arg2: memref<320000xi32, #tpu.memory_space<hbm>>, %arg3: memref<320000xi32, #tpu.memory_space<hbm>>, %arg4: memref<10000x128xf32, #tpu.memory_space<hbm>>, %arg5: memref<10240x128xf32, #tpu.memory_space<hbm>>, %arg6: memref<2x10240x128xf32, #tpu.memory_space<hbm>>, %arg7: memref<10240x128xf32, #tpu.memory_space<vmem_shared>>, %arg8: memref<128xi32, #tpu.memory_space<vmem>>, %arg9: memref<128xi32, #tpu.memory_space<vmem>>, %arg10: memref<128xi32, #tpu.memory_space<vmem>>, %arg11: memref<128xi32, #tpu.memory_space<vmem>>, %arg12: memref<16xi32, #tpu.memory_space<vmem>>, %arg13: memref<16xi32, #tpu.memory_space<vmem>>, %arg14: memref<128x128xf32, #tpu.memory_space<vmem>>, %arg15: memref<128x128xf32, #tpu.memory_space<vmem>>, %arg16: memref<16x128xf32, #tpu.memory_space<vmem>>, %arg17: memref<!tpu.dma_semaphore, #tpu.memory_space<semaphore_mem>>, %arg18: memref<!tpu.dma_semaphore, #tpu.memory_space<semaphore_mem>>, %arg19: memref<!tpu.dma_semaphore, #tpu.memory_space<semaphore_mem>>) attributes {dimension_semantics = [#tpu.dimension_semantics<core_parallel>, #tpu.dimension_semantics<subcore_parallel>], iteration_bounds = array<i64: 2, 16>, scalar_prefetch = 0 : i64, scratch_operands = 13 : i64, tpu.core_type = #tpu.core_type<sc_vector_subcore>, window_params = [{transform_indices = #map}, {transform_indices = #map}, {transform_indices = #map1}, {transform_indices = #map1}, {transform_indices = #map2}]} {
    %mul3A = arith.constant 16 : i32
    %mul3A_0 = arith.muli %arg0, %mul3A : i32
    %add3A = arith.addi %mul3A_0, %arg1 : i32
    %mul3A_1 = arith.constant 10000 : i32
    %mul3A_2 = arith.muli %add3A, %mul3A_1 : i32
    %mul3A_3 = arith.constant 640 : i32
    %mul3A_4 = arith.muli %arg1, %mul3A_3 : i32
    "tpu.region"() ({
      %run_scoped3A = tpu.sem_alloc : memref<!tpu.dma_semaphore, #tpu.memory_space<semaphore_mem>>
      %dma_start3A_20 = arith.constant 0 : i32
      %dma_start3A_21 = tpu.memref_slice %arg7[%mul3A_4, %dma_start3A_20] : memref<10240x128xf32, #tpu.memory_space<vmem_shared>> -> memref<640x128xf32, #tpu.memory_space<vmem_shared>>
      %dma_start3A_22 = arith.constant 0 : i32
      %dma_start3A_23 = tpu.memref_slice %arg5[%mul3A_4, %dma_start3A_22] : memref<10240x128xf32, #tpu.memory_space<hbm>> -> memref<640x128xf32, #tpu.memory_space<hbm>>
      tpu.enqueue_dma source(%dma_start3A_23 : memref<640x128xf32, #tpu.memory_space<hbm>>) target(%dma_start3A_21 : memref<640x128xf32, #tpu.memory_space<vmem_shared>>) target_semaphore(%run_scoped3A : memref<!tpu.dma_semaphore, #tpu.memory_space<semaphore_mem>>)
      %dma_wait3A_24 = arith.constant 0 : i32
      %dma_wait3A_25 = tpu.memref_slice %arg7[%mul3A_4, %dma_wait3A_24] : memref<10240x128xf32, #tpu.memory_space<vmem_shared>> -> memref<640x128xf32, #tpu.memory_space<vmem_shared>>
      %dma_wait3A_26 = arith.constant 0 : i32
      %dma_wait3A_27 = tpu.memref_slice %arg5[%mul3A_4, %dma_wait3A_26] : memref<10240x128xf32, #tpu.memory_space<hbm>> -> memref<640x128xf32, #tpu.memory_space<hbm>>
      tpu.wait_dma2 semaphore(%run_scoped3A : memref<!tpu.dma_semaphore, #tpu.memory_space<semaphore_mem>>) src(%dma_wait3A_27 : memref<640x128xf32, #tpu.memory_space<hbm>>) dst(%dma_wait3A_25 : memref<640x128xf32, #tpu.memory_space<vmem_shared>>)
      tpu.yield
    }) : () -> ()
    %barrier3A = arith.constant 0 : index
    tpu.barrier barrier_id(%barrier3A)
    "tpu.region"() ({
      %run_scoped3A = tpu.sem_alloc : memref<!tpu.dma_semaphore, #tpu.memory_space<semaphore_mem>>
      %dma_start3A_20 = tpu.memref_slice %arg2[%mul3A_2] : memref<320000xi32, #tpu.memory_space<hbm>> -> memref<128xi32, #tpu.memory_space<hbm>>
      %dma_start3A_21 = tpu.memref_slice %arg2[%mul3A_2] : memref<320000xi32, #tpu.memory_space<hbm>> -> memref<128xi32, #tpu.memory_space<hbm>>
      tpu.enqueue_dma source(%dma_start3A_21 : memref<128xi32, #tpu.memory_space<hbm>>) target(%arg8 : memref<128xi32, #tpu.memory_space<vmem>>) target_semaphore(%run_scoped3A : memref<!tpu.dma_semaphore, #tpu.memory_space<semaphore_mem>>)
      %dma_wait3A_22 = tpu.memref_slice %arg2[%mul3A_2] : memref<320000xi32, #tpu.memory_space<hbm>> -> memref<128xi32, #tpu.memory_space<hbm>>
      %dma_wait3A_23 = tpu.memref_slice %arg2[%mul3A_2] : memref<320000xi32, #tpu.memory_space<hbm>> -> memref<128xi32, #tpu.memory_space<hbm>>
      tpu.wait_dma2 semaphore(%run_scoped3A : memref<!tpu.dma_semaphore, #tpu.memory_space<semaphore_mem>>) src(%dma_wait3A_23 : memref<128xi32, #tpu.memory_space<hbm>>) dst(%arg8 : memref<128xi32, #tpu.memory_space<vmem>>)
      tpu.yield
    }) : () -> ()
    %dma_start3A = arith.constant 0 : i32
    %dma_start3A_5 = arith.constant 0 : i32
    %dma_start3A_6 = tpu.memref_slice %arg4[%dma_start3A, %dma_start3A_5] : memref<10000x128xf32, #tpu.memory_space<hbm>> -> memref<10000x128xf32, #tpu.memory_space<hbm>>
    tpu.enqueue_indirect_dma source(%dma_start3A_6 : memref<10000x128xf32, #tpu.memory_space<hbm>>) target(%arg14 : memref<128x128xf32, #tpu.memory_space<vmem>>) offsets(%arg8 : memref<128xi32, #tpu.memory_space<vmem>>) semaphore(%arg17 : memref<!tpu.dma_semaphore, #tpu.memory_space<semaphore_mem>>)
    %scan3A = arith.constant 0 : i32
    %scan3A_7 = arith.constant 0 : i32
    %scan3A_8 = arith.constant 39 : i32
    %scan3A_9 = arith.addi %scan3A_7, %scan3A_8 : i32
    %scan3A_10 = arith.constant 1 : i32
    scf.for %scan3A_20 = %scan3A_7 to %scan3A_9 step %scan3A_10  : i32 {
      %mul3A_21 = arith.constant 2 : i32
      %mul3A_22 = arith.muli %mul3A_21, %scan3A_20 : i32
      %add3A_23 = arith.constant 1 : i32
      %add3A_24 = arith.addi %mul3A_22, %add3A_23 : i32
      %mul3A_25 = arith.constant 128 : i32
      %mul3A_26 = arith.muli %add3A_24, %mul3A_25 : i32
      %add3A_27 = arith.addi %mul3A_2, %mul3A_26 : i32
      "tpu.region"() ({
        %run_scoped3A = tpu.sem_alloc : memref<!tpu.dma_semaphore, #tpu.memory_space<semaphore_mem>>
        %dma_start3A_40 = tpu.memref_slice %arg2[%add3A_27] : memref<320000xi32, #tpu.memory_space<hbm>> -> memref<128xi32, #tpu.memory_space<hbm>>
        %dma_start3A_41 = tpu.memref_slice %arg2[%add3A_27] : memref<320000xi32, #tpu.memory_space<hbm>> -> memref<128xi32, #tpu.memory_space<hbm>>
        tpu.enqueue_dma source(%dma_start3A_41 : memref<128xi32, #tpu.memory_space<hbm>>) target(%arg9 : memref<128xi32, #tpu.memory_space<vmem>>) target_semaphore(%run_scoped3A : memref<!tpu.dma_semaphore, #tpu.memory_space<semaphore_mem>>)
        %dma_wait3A_42 = tpu.memref_slice %arg2[%add3A_27] : memref<320000xi32, #tpu.memory_space<hbm>> -> memref<128xi32, #tpu.memory_space<hbm>>
        %dma_wait3A_43 = tpu.memref_slice %arg2[%add3A_27] : memref<320000xi32, #tpu.memory_space<hbm>> -> memref<128xi32, #tpu.memory_space<hbm>>
        tpu.wait_dma2 semaphore(%run_scoped3A : memref<!tpu.dma_semaphore, #tpu.memory_space<semaphore_mem>>) src(%dma_wait3A_43 : memref<128xi32, #tpu.memory_space<hbm>>) dst(%arg9 : memref<128xi32, #tpu.memory_space<vmem>>)
        tpu.yield
      }) : () -> ()
      %dma_start3A_28 = arith.constant 0 : i32
      %dma_start3A_29 = arith.constant 0 : i32
      %dma_start3A_30 = tpu.memref_slice %arg4[%dma_start3A_28, %dma_start3A_29] : memref<10000x128xf32, #tpu.memory_space<hbm>> -> memref<10000x128xf32, #tpu.memory_space<hbm>>
      tpu.enqueue_indirect_dma source(%dma_start3A_30 : memref<10000x128xf32, #tpu.memory_space<hbm>>) target(%arg15 : memref<128x128xf32, #tpu.memory_space<vmem>>) offsets(%arg9 : memref<128xi32, #tpu.memory_space<vmem>>) semaphore(%arg18 : memref<!tpu.dma_semaphore, #tpu.memory_space<semaphore_mem>>)
      %dma_wait3A_31 = arith.constant 0 : i32
      %dma_wait3A_32 = arith.constant 0 : i32
      %dma_wait3A_33 = tpu.memref_slice %arg4[%dma_wait3A_31, %dma_wait3A_32] : memref<10000x128xf32, #tpu.memory_space<hbm>> -> memref<10000x128xf32, #tpu.memory_space<hbm>>
      tpu.wait_indirect_dma semaphore(%arg17 : memref<!tpu.dma_semaphore, #tpu.memory_space<semaphore_mem>>) src(%dma_wait3A_33 : memref<10000x128xf32, #tpu.memory_space<hbm>>) dst(%arg14 : memref<128x128xf32, #tpu.memory_space<vmem>>)
      %sub3A = arith.constant 128 : i32
      %sub3A_34 = arith.subi %add3A_27, %sub3A : i32
      "tpu.region"() ({
        %run_scoped3A = tpu.sem_alloc : memref<!tpu.dma_semaphore, #tpu.memory_space<semaphore_mem>>
        %dma_start3A_40 = tpu.memref_slice %arg3[%sub3A_34] : memref<320000xi32, #tpu.memory_space<hbm>> -> memref<128xi32, #tpu.memory_space<hbm>>
        %dma_start3A_41 = tpu.memref_slice %arg3[%sub3A_34] : memref<320000xi32, #tpu.memory_space<hbm>> -> memref<128xi32, #tpu.memory_space<hbm>>
        tpu.enqueue_dma source(%dma_start3A_41 : memref<128xi32, #tpu.memory_space<hbm>>) target(%arg10 : memref<128xi32, #tpu.memory_space<vmem>>) target_semaphore(%run_scoped3A : memref<!tpu.dma_semaphore, #tpu.memory_space<semaphore_mem>>)
        %dma_wait3A_42 = tpu.memref_slice %arg3[%sub3A_34] : memref<320000xi32, #tpu.memory_space<hbm>> -> memref<128xi32, #tpu.memory_space<hbm>>
        %dma_wait3A_43 = tpu.memref_slice %arg3[%sub3A_34] : memref<320000xi32, #tpu.memory_space<hbm>> -> memref<128xi32, #tpu.memory_space<hbm>>
        tpu.wait_dma2 semaphore(%run_scoped3A : memref<!tpu.dma_semaphore, #tpu.memory_space<semaphore_mem>>) src(%dma_wait3A_43 : memref<128xi32, #tpu.memory_space<hbm>>) dst(%arg10 : memref<128xi32, #tpu.memory_space<vmem>>)
        tpu.yield
      }) : () -> ()
      "tpu.region"() ({
        %run_scoped3A = tpu.sem_alloc : memref<!tpu.dma_semaphore, #tpu.memory_space<semaphore_mem>>
        %dma_start3A_40 = arith.constant 0 : i32
        %dma_start3A_41 = arith.constant 0 : i32
        %dma_start3A_42 = tpu.memref_slice %arg7[%dma_start3A_40, %dma_start3A_41] : memref<10240x128xf32, #tpu.memory_space<vmem_shared>> -> memref<10240x128xf32, #tpu.memory_space<vmem_shared>>
        tpu.enqueue_indirect_dma source(%arg14 : memref<128x128xf32, #tpu.memory_space<vmem>>) target(%dma_start3A_42 : memref<10240x128xf32, #tpu.memory_space<vmem_shared>>) offsets(%arg10 : memref<128xi32, #tpu.memory_space<vmem>>) semaphore(%run_scoped3A : memref<!tpu.dma_semaphore, #tpu.memory_space<semaphore_mem>>) {add = true}
        %dma_wait3A_43 = arith.constant 0 : i32
        %dma_wait3A_44 = arith.constant 0 : i32
        %dma_wait3A_45 = tpu.memref_slice %arg7[%dma_wait3A_43, %dma_wait3A_44] : memref<10240x128xf32, #tpu.memory_space<vmem_shared>> -> memref<10240x128xf32, #tpu.memory_space<vmem_shared>>
        tpu.wait_indirect_dma semaphore(%run_scoped3A : memref<!tpu.dma_semaphore, #tpu.memory_space<semaphore_mem>>) src(%arg14 : memref<128x128xf32, #tpu.memory_space<vmem>>) dst(%dma_wait3A_45 : memref<10240x128xf32, #tpu.memory_space<vmem_shared>>)
        tpu.yield
      }) : () -> ()
      %lt3A = arith.constant 38 : i32
      %lt3A_35 = arith.cmpi slt, %scan3A_20, %lt3A : i32
      %convert_element_type3A = arith.extui %lt3A_35 : i1 to i32
      %cond3A = arith.constant 0 : i32
      %cond3A_36 = arith.cmpi ne, %convert_element_type3A, %cond3A : i32
      scf.if %cond3A_36 {
        %add3A_40 = arith.constant 128 : i32
        %add3A_41 = arith.addi %add3A_27, %add3A_40 : i32
        "tpu.region"() ({
          %run_scoped3A = tpu.sem_alloc : memref<!tpu.dma_semaphore, #tpu.memory_space<semaphore_mem>>
          %dma_start3A_45 = tpu.memref_slice %arg2[%add3A_41] : memref<320000xi32, #tpu.memory_space<hbm>> -> memref<128xi32, #tpu.memory_space<hbm>>
          %dma_start3A_46 = tpu.memref_slice %arg2[%add3A_41] : memref<320000xi32, #tpu.memory_space<hbm>> -> memref<128xi32, #tpu.memory_space<hbm>>
          tpu.enqueue_dma source(%dma_start3A_46 : memref<128xi32, #tpu.memory_space<hbm>>) target(%arg8 : memref<128xi32, #tpu.memory_space<vmem>>) target_semaphore(%run_scoped3A : memref<!tpu.dma_semaphore, #tpu.memory_space<semaphore_mem>>)
          %dma_wait3A_47 = tpu.memref_slice %arg2[%add3A_41] : memref<320000xi32, #tpu.memory_space<hbm>> -> memref<128xi32, #tpu.memory_space<hbm>>
          %dma_wait3A_48 = tpu.memref_slice %arg2[%add3A_41] : memref<320000xi32, #tpu.memory_space<hbm>> -> memref<128xi32, #tpu.memory_space<hbm>>
          tpu.wait_dma2 semaphore(%run_scoped3A : memref<!tpu.dma_semaphore, #tpu.memory_space<semaphore_mem>>) src(%dma_wait3A_48 : memref<128xi32, #tpu.memory_space<hbm>>) dst(%arg8 : memref<128xi32, #tpu.memory_space<vmem>>)
          tpu.yield
        }) : () -> ()
        %dma_start3A_42 = arith.constant 0 : i32
        %dma_start3A_43 = arith.constant 0 : i32
        %dma_start3A_44 = tpu.memref_slice %arg4[%dma_start3A_42, %dma_start3A_43] : memref<10000x128xf32, #tpu.memory_space<hbm>> -> memref<10000x128xf32, #tpu.memory_space<hbm>>
        tpu.enqueue_indirect_dma source(%dma_start3A_44 : memref<10000x128xf32, #tpu.memory_space<hbm>>) target(%arg14 : memref<128x128xf32, #tpu.memory_space<vmem>>) offsets(%arg8 : memref<128xi32, #tpu.memory_space<vmem>>) semaphore(%arg17 : memref<!tpu.dma_semaphore, #tpu.memory_space<semaphore_mem>>)
      } else {
      }
      %dma_wait3A_37 = arith.constant 0 : i32
      %dma_wait3A_38 = arith.constant 0 : i32
      %dma_wait3A_39 = tpu.memref_slice %arg4[%dma_wait3A_37, %dma_wait3A_38] : memref<10000x128xf32, #tpu.memory_space<hbm>> -> memref<10000x128xf32, #tpu.memory_space<hbm>>
      tpu.wait_indirect_dma semaphore(%arg18 : memref<!tpu.dma_semaphore, #tpu.memory_space<semaphore_mem>>) src(%dma_wait3A_39 : memref<10000x128xf32, #tpu.memory_space<hbm>>) dst(%arg15 : memref<128x128xf32, #tpu.memory_space<vmem>>)
      "tpu.region"() ({
        %run_scoped3A = tpu.sem_alloc : memref<!tpu.dma_semaphore, #tpu.memory_space<semaphore_mem>>
        %dma_start3A_40 = tpu.memref_slice %arg3[%add3A_27] : memref<320000xi32, #tpu.memory_space<hbm>> -> memref<128xi32, #tpu.memory_space<hbm>>
        %dma_start3A_41 = tpu.memref_slice %arg3[%add3A_27] : memref<320000xi32, #tpu.memory_space<hbm>> -> memref<128xi32, #tpu.memory_space<hbm>>
        tpu.enqueue_dma source(%dma_start3A_41 : memref<128xi32, #tpu.memory_space<hbm>>) target(%arg11 : memref<128xi32, #tpu.memory_space<vmem>>) target_semaphore(%run_scoped3A : memref<!tpu.dma_semaphore, #tpu.memory_space<semaphore_mem>>)
        %dma_wait3A_42 = tpu.memref_slice %arg3[%add3A_27] : memref<320000xi32, #tpu.memory_space<hbm>> -> memref<128xi32, #tpu.memory_space<hbm>>
        %dma_wait3A_43 = tpu.memref_slice %arg3[%add3A_27] : memref<320000xi32, #tpu.memory_space<hbm>> -> memref<128xi32, #tpu.memory_space<hbm>>
        tpu.wait_dma2 semaphore(%run_scoped3A : memref<!tpu.dma_semaphore, #tpu.memory_space<semaphore_mem>>) src(%dma_wait3A_43 : memref<128xi32, #tpu.memory_space<hbm>>) dst(%arg11 : memref<128xi32, #tpu.memory_space<vmem>>)
        tpu.yield
      }) : () -> ()
      "tpu.region"() ({
        %run_scoped3A = tpu.sem_alloc : memref<!tpu.dma_semaphore, #tpu.memory_space<semaphore_mem>>
        %dma_start3A_40 = arith.constant 0 : i32
        %dma_start3A_41 = arith.constant 0 : i32
        %dma_start3A_42 = tpu.memref_slice %arg7[%dma_start3A_40, %dma_start3A_41] : memref<10240x128xf32, #tpu.memory_space<vmem_shared>> -> memref<10240x128xf32, #tpu.memory_space<vmem_shared>>
        tpu.enqueue_indirect_dma source(%arg15 : memref<128x128xf32, #tpu.memory_space<vmem>>) target(%dma_start3A_42 : memref<10240x128xf32, #tpu.memory_space<vmem_shared>>) offsets(%arg11 : memref<128xi32, #tpu.memory_space<vmem>>) semaphore(%run_scoped3A : memref<!tpu.dma_semaphore, #tpu.memory_space<semaphore_mem>>) {add = true}
        %dma_wait3A_43 = arith.constant 0 : i32
        %dma_wait3A_44 = arith.constant 0 : i32
        %dma_wait3A_45 = tpu.memref_slice %arg7[%dma_wait3A_43, %dma_wait3A_44] : memref<10240x128xf32, #tpu.memory_space<vmem_shared>> -> memref<10240x128xf32, #tpu.memory_space<vmem_shared>>
        tpu.wait_indirect_dma semaphore(%run_scoped3A : memref<!tpu.dma_semaphore, #tpu.memory_space<semaphore_mem>>) src(%arg15 : memref<128x128xf32, #tpu.memory_space<vmem>>) dst(%dma_wait3A_45 : memref<10240x128xf32, #tpu.memory_space<vmem_shared>>)
        tpu.yield
      }) : () -> ()
    }
    %scan3A_11 = arith.constant 39 : i32
    %add3A_12 = arith.constant 9984 : i32
    %add3A_13 = arith.addi %mul3A_2, %add3A_12 : i32
    "tpu.region"() ({
      %run_scoped3A = tpu.sem_alloc : memref<!tpu.dma_semaphore, #tpu.memory_space<semaphore_mem>>
      %dma_start3A_20 = tpu.memref_slice %arg2[%add3A_13] : memref<320000xi32, #tpu.memory_space<hbm>> -> memref<16xi32, #tpu.memory_space<hbm>>
      %dma_start3A_21 = tpu.memref_slice %arg2[%add3A_13] : memref<320000xi32, #tpu.memory_space<hbm>> -> memref<16xi32, #tpu.memory_space<hbm>>
      tpu.enqueue_dma source(%dma_start3A_21 : memref<16xi32, #tpu.memory_space<hbm>>) target(%arg12 : memref<16xi32, #tpu.memory_space<vmem>>) target_semaphore(%run_scoped3A : memref<!tpu.dma_semaphore, #tpu.memory_space<semaphore_mem>>)
      %dma_wait3A_22 = tpu.memref_slice %arg2[%add3A_13] : memref<320000xi32, #tpu.memory_space<hbm>> -> memref<16xi32, #tpu.memory_space<hbm>>
      %dma_wait3A_23 = tpu.memref_slice %arg2[%add3A_13] : memref<320000xi32, #tpu.memory_space<hbm>> -> memref<16xi32, #tpu.memory_space<hbm>>
      tpu.wait_dma2 semaphore(%run_scoped3A : memref<!tpu.dma_semaphore, #tpu.memory_space<semaphore_mem>>) src(%dma_wait3A_23 : memref<16xi32, #tpu.memory_space<hbm>>) dst(%arg12 : memref<16xi32, #tpu.memory_space<vmem>>)
      tpu.yield
    }) : () -> ()
    %dma_start3A_14 = arith.constant 0 : i32
    %dma_start3A_15 = arith.constant 0 : i32
    %dma_start3A_16 = tpu.memref_slice %arg4[%dma_start3A_14, %dma_start3A_15] : memref<10000x128xf32, #tpu.memory_space<hbm>> -> memref<10000x128xf32, #tpu.memory_space<hbm>>
    tpu.enqueue_indirect_dma source(%dma_start3A_16 : memref<10000x128xf32, #tpu.memory_space<hbm>>) target(%arg16 : memref<16x128xf32, #tpu.memory_space<vmem>>) offsets(%arg12 : memref<16xi32, #tpu.memory_space<vmem>>) semaphore(%arg19 : memref<!tpu.dma_semaphore, #tpu.memory_space<semaphore_mem>>)
    %dma_wait3A = arith.constant 0 : i32
    %dma_wait3A_17 = arith.constant 0 : i32
    %dma_wait3A_18 = tpu.memref_slice %arg4[%dma_wait3A, %dma_wait3A_17] : memref<10000x128xf32, #tpu.memory_space<hbm>> -> memref<10000x128xf32, #tpu.memory_space<hbm>>
    tpu.wait_indirect_dma semaphore(%arg19 : memref<!tpu.dma_semaphore, #tpu.memory_space<semaphore_mem>>) src(%dma_wait3A_18 : memref<10000x128xf32, #tpu.memory_space<hbm>>) dst(%arg16 : memref<16x128xf32, #tpu.memory_space<vmem>>)
    "tpu.region"() ({
      %run_scoped3A = tpu.sem_alloc : memref<!tpu.dma_semaphore, #tpu.memory_space<semaphore_mem>>
      %dma_start3A_20 = tpu.memref_slice %arg3[%add3A_13] : memref<320000xi32, #tpu.memory_space<hbm>> -> memref<16xi32, #tpu.memory_space<hbm>>
      %dma_start3A_21 = tpu.memref_slice %arg3[%add3A_13] : memref<320000xi32, #tpu.memory_space<hbm>> -> memref<16xi32, #tpu.memory_space<hbm>>
      tpu.enqueue_dma source(%dma_start3A_21 : memref<16xi32, #tpu.memory_space<hbm>>) target(%arg13 : memref<16xi32, #tpu.memory_space<vmem>>) target_semaphore(%run_scoped3A : memref<!tpu.dma_semaphore, #tpu.memory_space<semaphore_mem>>)
      %dma_wait3A_22 = tpu.memref_slice %arg3[%add3A_13] : memref<320000xi32, #tpu.memory_space<hbm>> -> memref<16xi32, #tpu.memory_space<hbm>>
      %dma_wait3A_23 = tpu.memref_slice %arg3[%add3A_13] : memref<320000xi32, #tpu.memory_space<hbm>> -> memref<16xi32, #tpu.memory_space<hbm>>
      tpu.wait_dma2 semaphore(%run_scoped3A : memref<!tpu.dma_semaphore, #tpu.memory_space<semaphore_mem>>) src(%dma_wait3A_23 : memref<16xi32, #tpu.memory_space<hbm>>) dst(%arg13 : memref<16xi32, #tpu.memory_space<vmem>>)
      tpu.yield
    }) : () -> ()
    "tpu.region"() ({
      %run_scoped3A = tpu.sem_alloc : memref<!tpu.dma_semaphore, #tpu.memory_space<semaphore_mem>>
      %dma_start3A_20 = arith.constant 0 : i32
      %dma_start3A_21 = arith.constant 0 : i32
      %dma_start3A_22 = tpu.memref_slice %arg7[%dma_start3A_20, %dma_start3A_21] : memref<10240x128xf32, #tpu.memory_space<vmem_shared>> -> memref<10240x128xf32, #tpu.memory_space<vmem_shared>>
      tpu.enqueue_indirect_dma source(%arg16 : memref<16x128xf32, #tpu.memory_space<vmem>>) target(%dma_start3A_22 : memref<10240x128xf32, #tpu.memory_space<vmem_shared>>) offsets(%arg13 : memref<16xi32, #tpu.memory_space<vmem>>) semaphore(%run_scoped3A : memref<!tpu.dma_semaphore, #tpu.memory_space<semaphore_mem>>) {add = true}
      %dma_wait3A_23 = arith.constant 0 : i32
      %dma_wait3A_24 = arith.constant 0 : i32
      %dma_wait3A_25 = tpu.memref_slice %arg7[%dma_wait3A_23, %dma_wait3A_24] : memref<10240x128xf32, #tpu.memory_space<vmem_shared>> -> memref<10240x128xf32, #tpu.memory_space<vmem_shared>>
      tpu.wait_indirect_dma semaphore(%run_scoped3A : memref<!tpu.dma_semaphore, #tpu.memory_space<semaphore_mem>>) src(%arg16 : memref<16x128xf32, #tpu.memory_space<vmem>>) dst(%dma_wait3A_25 : memref<10240x128xf32, #tpu.memory_space<vmem_shared>>)
      tpu.yield
    }) : () -> ()
    %barrier3A_19 = arith.constant 0 : index
    tpu.barrier barrier_id(%barrier3A_19)
    "tpu.region"() ({
      %run_scoped3A = tpu.sem_alloc : memref<!tpu.dma_semaphore, #tpu.memory_space<semaphore_mem>>
      %dma_start3A_20 = arith.constant 0 : i32
      %dma_start3A_21 = tpu.memref_slice %arg6[%arg0, %mul3A_4, %dma_start3A_20] : memref<2x10240x128xf32, #tpu.memory_space<hbm>> -> memref<1x640x128xf32, #tpu.memory_space<hbm>>
      %dma_start3A_22 = tpu.memref_squeeze %dma_start3A_21 : memref<1x640x128xf32, #tpu.memory_space<hbm>> -> memref<640x128xf32, #tpu.memory_space<hbm>>
      %dma_start3A_23 = arith.constant 0 : i32
      %dma_start3A_24 = tpu.memref_slice %arg7[%mul3A_4, %dma_start3A_23] : memref<10240x128xf32, #tpu.memory_space<vmem_shared>> -> memref<640x128xf32, #tpu.memory_space<vmem_shared>>
      tpu.enqueue_dma source(%dma_start3A_24 : memref<640x128xf32, #tpu.memory_space<vmem_shared>>) target(%dma_start3A_22 : memref<640x128xf32, #tpu.memory_space<hbm>>) target_semaphore(%run_scoped3A : memref<!tpu.dma_semaphore, #tpu.memory_space<semaphore_mem>>)
      %dma_wait3A_25 = arith.constant 0 : i32
      %dma_wait3A_26 = tpu.memref_slice %arg6[%arg0, %mul3A_4, %dma_wait3A_25] : memref<2x10240x128xf32, #tpu.memory_space<hbm>> -> memref<1x640x128xf32, #tpu.memory_space<hbm>>
      %dma_wait3A_27 = tpu.memref_squeeze %dma_wait3A_26 : memref<1x640x128xf32, #tpu.memory_space<hbm>> -> memref<640x128xf32, #tpu.memory_space<hbm>>
      %dma_wait3A_28 = arith.constant 0 : i32
      %dma_wait3A_29 = tpu.memref_slice %arg7[%mul3A_4, %dma_wait3A_28] : memref<10240x128xf32, #tpu.memory_space<vmem_shared>> -> memref<640x128xf32, #tpu.memory_space<vmem_shared>>
      tpu.wait_dma2 semaphore(%run_scoped3A : memref<!tpu.dma_semaphore, #tpu.memory_space<semaphore_mem>>) src(%dma_wait3A_29 : memref<640x128xf32, #tpu.memory_space<vmem_shared>>) dst(%dma_wait3A_27 : memref<640x128xf32, #tpu.memory_space<hbm>>)
      tpu.yield
    }) : () -> ()
    return
  }
}

module attributes {stable_mosaic.version = 14 : i64} {
  func.func @_mid_kernel(%arg0: i32, %arg1: memref<400x128xf32, #tpu.memory_space<vmem>>, %arg2: memref<400x128xf32, #tpu.memory_space<vmem>>, %arg3: memref<400x1xf32, #tpu.memory_space<vmem>>, %arg4: memref<400x1xf32, #tpu.memory_space<vmem>>, %arg5: memref<2x400x128xf32, #tpu.memory_space<vmem>>, %arg6: memref<1x128xf32, #tpu.memory_space<vmem>>, %arg7: memref<128x128xf32, #tpu.memory_space<vmem>>, %arg8: memref<1x128xf32, #tpu.memory_space<vmem>>, %arg9: memref<400x128xf32, #tpu.memory_space<vmem>>, %arg10: memref<400x128xf32, #tpu.memory_space<vmem>>) attributes {dimension_semantics = [#tpu.dimension_semantics<arbitrary>], iteration_bounds = array<i64: 25>, scalar_prefetch = 0 : i64, scratch_operands = 0 : i64, tpu.core_type = #tpu.core_type<tc>, window_params = [{transform_indices = @transform_0, window_bounds = array<i64: 400, 128>}, {transform_indices = @transform_1, window_bounds = array<i64: 400, 128>}, {transform_indices = @transform_2, window_bounds = array<i64: 400, 1>}, {transform_indices = @transform_3, window_bounds = array<i64: 400, 1>}, {transform_indices = @transform_4, window_bounds = array<i64: 2, 400, 128>}, {pipeline_mode = #tpu.pipeline_mode<synchronous>, transform_indices = @transform_5, window_bounds = array<i64: 1, 128>}, {pipeline_mode = #tpu.pipeline_mode<synchronous>, transform_indices = @transform_6, window_bounds = array<i64: 128, 128>}, {pipeline_mode = #tpu.pipeline_mode<synchronous>, transform_indices = @transform_7, window_bounds = array<i64: 1, 128>}, {transform_indices = @transform_8, window_bounds = array<i64: 400, 128>}, {transform_indices = @transform_9, window_bounds = array<i64: 400, 128>}]} {
    %get3A = arith.constant 0 : index
    %get3A_0 = arith.constant 0 : index
    %get3A_1 = vector.load %arg3[%get3A, %get3A_0] : memref<400x1xf32, #tpu.memory_space<vmem>>, vector<400x1xf32>
    %get3A_2 = arith.constant 0 : index
    %get3A_3 = arith.constant 0 : index
    %get3A_4 = vector.load %arg1[%get3A_2, %get3A_3] : memref<400x128xf32, #tpu.memory_space<vmem>>, vector<400x128xf32>
    %mul3A = vector.broadcast %get3A_1 : vector<400x1xf32> to vector<400x128xf32>
    %mul3A_5 = arith.mulf %mul3A, %get3A_4 : vector<400x128xf32>
    %get3A_6 = arith.constant 0 : index
    %get3A_7 = arith.constant 0 : index
    %get3A_8 = vector.load %arg2[%get3A_6, %get3A_7] : memref<400x128xf32, #tpu.memory_space<vmem>>, vector<400x128xf32>
    %add3A = arith.addf %mul3A_5, %get3A_8 : vector<400x128xf32>
    %get3A_9 = arith.constant 0 : index
    %get3A_10 = arith.constant 0 : index
    %get3A_11 = arith.constant 0 : index
    %get3A_12 = vector.load %arg5[%get3A_9, %get3A_10, %get3A_11] : memref<2x400x128xf32, #tpu.memory_space<vmem>>, vector<1x400x128xf32>
    %get3A_13 = vector.shape_cast %get3A_12 : vector<1x400x128xf32> to vector<400x128xf32>
    %add3A_14 = arith.addf %add3A, %get3A_13 : vector<400x128xf32>
    %get3A_15 = arith.constant 1 : index
    %get3A_16 = arith.constant 0 : index
    %get3A_17 = arith.constant 0 : index
    %get3A_18 = vector.load %arg5[%get3A_15, %get3A_16, %get3A_17] : memref<2x400x128xf32, #tpu.memory_space<vmem>>, vector<1x400x128xf32>
    %get3A_19 = vector.shape_cast %get3A_18 : vector<1x400x128xf32> to vector<400x128xf32>
    %add3A_20 = arith.addf %add3A_14, %get3A_19 : vector<400x128xf32>
    %get3A_21 = arith.constant 0 : index
    %get3A_22 = arith.constant 0 : index
    %get3A_23 = vector.load %arg6[%get3A_21, %get3A_22] : memref<1x128xf32, #tpu.memory_space<vmem>>, vector<1x128xf32>
    %add3A_24 = vector.broadcast %get3A_23 : vector<1x128xf32> to vector<400x128xf32>
    %add3A_25 = arith.addf %add3A_20, %add3A_24 : vector<400x128xf32>
    %max3A = arith.constant 0.000000e+00 : f32
    %max3A_26 = vector.broadcast %max3A : f32 to vector<400x128xf32>
    %max3A_27 = arith.maximumf %add3A_25, %max3A_26 : vector<400x128xf32>
    %get3A_28 = arith.constant 0 : index
    %get3A_29 = arith.constant 0 : index
    %get3A_30 = vector.load %arg7[%get3A_28, %get3A_29] : memref<128x128xf32, #tpu.memory_space<vmem>>, vector<128x128xf32>
    %dot_general3A = arith.constant dense<0.000000e+00> : vector<400x128xf32>
    %dot_general3A_31 = tpu.matmul %max3A_27, %get3A_30, %dot_general3A {dimension_numbers = #tpu.dot_dimension_numbers<[1], [0], [0], [1], [0, 0, 1, 1], [], []>, transpose_lhs_hint = false} : vector<400x128xf32>, vector<128x128xf32>, vector<400x128xf32> -> vector<400x128xf32>
    %get3A_32 = arith.constant 0 : index
    %get3A_33 = arith.constant 0 : index
    %get3A_34 = vector.load %arg8[%get3A_32, %get3A_33] : memref<1x128xf32, #tpu.memory_space<vmem>>, vector<1x128xf32>
    %add3A_35 = vector.broadcast %get3A_34 : vector<1x128xf32> to vector<400x128xf32>
    %add3A_36 = arith.addf %dot_general3A_31, %add3A_35 : vector<400x128xf32>
    %swap3A = arith.constant 0 : index
    %swap3A_37 = arith.constant 0 : index
    %swap3A_38 = vector.load %arg9[%swap3A, %swap3A_37] : memref<400x128xf32, #tpu.memory_space<vmem>>, vector<400x128xf32>
    tpu.vector_store %arg9[%swap3A, %swap3A_37], %add3A_36 {strides = array<i32>} : memref<400x128xf32, #tpu.memory_space<vmem>>, vector<400x128xf32>,
    %get3A_39 = arith.constant 0 : index
    %get3A_40 = arith.constant 0 : index
    %get3A_41 = vector.load %arg4[%get3A_39, %get3A_40] : memref<400x1xf32, #tpu.memory_space<vmem>>, vector<400x1xf32>
    %div3A = vector.broadcast %get3A_41 : vector<400x1xf32> to vector<400x128xf32>
    %div3A_42 = arith.divf %add3A_36, %div3A : vector<400x128xf32>
    %swap3A_43 = arith.constant 0 : index
    %swap3A_44 = arith.constant 0 : index
    %swap3A_45 = vector.load %arg10[%swap3A_43, %swap3A_44] : memref<400x128xf32, #tpu.memory_space<vmem>>, vector<400x128xf32>
    tpu.vector_store %arg10[%swap3A_43, %swap3A_44], %div3A_42 {strides = array<i32>} : memref<400x128xf32, #tpu.memory_space<vmem>>, vector<400x128xf32>,
    return
  }
  func.func @transform_0(%arg0: i32) -> (i32, i32) {
    %c0_i32 = arith.constant 0 : i32
    %c0_i32_0 = arith.constant 0 : i32
    return %arg0, %c0_i32 : i32, i32
  }
  func.func @transform_1(%arg0: i32) -> (i32, i32) {
    %c0_i32 = arith.constant 0 : i32
    %c0_i32_0 = arith.constant 0 : i32
    return %arg0, %c0_i32 : i32, i32
  }
  func.func @transform_2(%arg0: i32) -> (i32, i32) {
    %c0_i32 = arith.constant 0 : i32
    %c0_i32_0 = arith.constant 0 : i32
    return %arg0, %c0_i32 : i32, i32
  }
  func.func @transform_3(%arg0: i32) -> (i32, i32) {
    %c0_i32 = arith.constant 0 : i32
    %c0_i32_0 = arith.constant 0 : i32
    return %arg0, %c0_i32 : i32, i32
  }
  func.func @transform_4(%arg0: i32) -> (i32, i32, i32) {
    %c0_i32 = arith.constant 0 : i32
    %c0_i32_0 = arith.constant 0 : i32
    %c0_i32_1 = arith.constant 0 : i32
    return %c0_i32, %arg0, %c0_i32_0 : i32, i32, i32
  }
  func.func @transform_5(%arg0: i32) -> (i32, i32) {
    %c0_i32 = arith.constant 0 : i32
    %c0_i32_0 = arith.constant 0 : i32
    %c0_i32_1 = arith.constant 0 : i32
    return %c0_i32, %c0_i32_0 : i32, i32
  }
  func.func @transform_6(%arg0: i32) -> (i32, i32) {
    %c0_i32 = arith.constant 0 : i32
    %c0_i32_0 = arith.constant 0 : i32
    %c0_i32_1 = arith.constant 0 : i32
    return %c0_i32, %c0_i32_0 : i32, i32
  }
  func.func @transform_7(%arg0: i32) -> (i32, i32) {
    %c0_i32 = arith.constant 0 : i32
    %c0_i32_0 = arith.constant 0 : i32
    %c0_i32_1 = arith.constant 0 : i32
    return %c0_i32, %c0_i32_0 : i32, i32
  }
  func.func @transform_8(%arg0: i32) -> (i32, i32) {
    %c0_i32 = arith.constant 0 : i32
    %c0_i32_0 = arith.constant 0 : i32
    return %arg0, %c0_i32 : i32, i32
  }
  func.func @transform_9(%arg0: i32) -> (i32, i32) {
    %c0_i32 = arith.constant 0 : i32
    %c0_i32_0 = arith.constant 0 : i32
    return %arg0, %c0_i32 : i32, i32
  }
}

module attributes {stable_mosaic.version = 14 : i64} {
  func.func @_prep0_kernel(%arg0: i32, %arg1: memref<400x1xi32, #tpu.memory_space<vmem>>, %arg2: memref<2x128xf32, #tpu.memory_space<vmem>>, %arg3: memref<128x128xf32, #tpu.memory_space<vmem>>, %arg4: memref<1x128xf32, #tpu.memory_space<vmem>>, %arg5: memref<2x400x128xf32, #tpu.memory_space<vmem>>, %arg6: memref<400x128xf32, #tpu.memory_space<vmem>>, %arg7: memref<400x128xf32, #tpu.memory_space<vmem>>, %arg8: memref<400x1xf32, #tpu.memory_space<vmem>>, %arg9: memref<400x1xf32, #tpu.memory_space<vmem>>) attributes {dimension_semantics = [#tpu.dimension_semantics<arbitrary>], iteration_bounds = array<i64: 25>, scalar_prefetch = 0 : i64, scratch_operands = 0 : i64, tpu.core_type = #tpu.core_type<tc>, window_params = [{transform_indices = @transform_0, window_bounds = array<i64: 400, 1>}, {pipeline_mode = #tpu.pipeline_mode<synchronous>, transform_indices = @transform_1, window_bounds = array<i64: 2, 128>}, {pipeline_mode = #tpu.pipeline_mode<synchronous>, transform_indices = @transform_2, window_bounds = array<i64: 128, 128>}, {pipeline_mode = #tpu.pipeline_mode<synchronous>, transform_indices = @transform_3, window_bounds = array<i64: 1, 128>}, {transform_indices = @transform_4, window_bounds = array<i64: 2, 400, 128>}, {transform_indices = @transform_5, window_bounds = array<i64: 400, 128>}, {transform_indices = @transform_6, window_bounds = array<i64: 400, 128>}, {transform_indices = @transform_7, window_bounds = array<i64: 400, 1>}, {transform_indices = @transform_8, window_bounds = array<i64: 400, 1>}]} {
    %get3A = arith.constant 0 : index
    %get3A_0 = arith.constant 0 : index
    %get3A_1 = vector.load %arg2[%get3A, %get3A_0] : memref<2x128xf32, #tpu.memory_space<vmem>>, vector<2x128xf32>
    %get3A_2 = arith.constant 0 : index
    %get3A_3 = arith.constant 0 : index
    %get3A_4 = vector.load %arg3[%get3A_2, %get3A_3] : memref<128x128xf32, #tpu.memory_space<vmem>>, vector<128x128xf32>
    %dot_general3A = arith.constant dense<0.000000e+00> : vector<2x128xf32>
    %dot_general3A_5 = tpu.matmul %get3A_1, %get3A_4, %dot_general3A {dimension_numbers = #tpu.dot_dimension_numbers<[1], [0], [0], [1], [0, 0, 1, 1], [], []>, transpose_lhs_hint = false} : vector<2x128xf32>, vector<128x128xf32>, vector<2x128xf32> -> vector<2x128xf32>
    %get3A_6 = arith.constant 0 : index
    %get3A_7 = arith.constant 0 : index
    %get3A_8 = vector.load %arg4[%get3A_6, %get3A_7] : memref<1x128xf32, #tpu.memory_space<vmem>>, vector<1x128xf32>
    %add3A = vector.broadcast %get3A_8 : vector<1x128xf32> to vector<2x128xf32>
    %add3A_9 = arith.addf %dot_general3A_5, %add3A : vector<2x128xf32>
    %get3A_10 = arith.constant 0 : index
    %get3A_11 = arith.constant 0 : index
    %get3A_12 = vector.load %arg1[%get3A_10, %get3A_11] : memref<400x1xi32, #tpu.memory_space<vmem>>, vector<400x1xi32>
    %eq3A = arith.constant 0 : i32
    %eq3A_13 = vector.broadcast %eq3A : i32 to vector<400x1xi32>
    %eq3A_14 = arith.cmpi eq, %get3A_12, %eq3A_13 : vector<400x1xi32>
    %slice3A = vector.extract_strided_slice %add3A_9 {offsets = [0, 0], sizes = [1, 128], strides = [1, 1]} : vector<2x128xf32> to vector<1x128xf32>
    %slice3A_15 = vector.extract_strided_slice %add3A_9 {offsets = [1, 0], sizes = [1, 128], strides = [1, 1]} : vector<2x128xf32> to vector<1x128xf32>
    %broadcast_in_dim3A = vector.shape_cast %eq3A_14 : vector<400x1xi1> to vector<400x1xi1>
    %broadcast_in_dim3A_16 = vector.broadcast %broadcast_in_dim3A : vector<400x1xi1> to vector<400x128xi1>
    %broadcast_in_dim3A_17 = vector.shape_cast %slice3A : vector<1x128xf32> to vector<1x128xf32>
    %broadcast_in_dim3A_18 = vector.broadcast %broadcast_in_dim3A_17 : vector<1x128xf32> to vector<400x128xf32>
    %broadcast_in_dim3A_19 = vector.shape_cast %slice3A_15 : vector<1x128xf32> to vector<1x128xf32>
    %broadcast_in_dim3A_20 = vector.broadcast %broadcast_in_dim3A_19 : vector<1x128xf32> to vector<400x128xf32>
    %select_n3A = arith.select %broadcast_in_dim3A_16, %broadcast_in_dim3A_18, %broadcast_in_dim3A_20 : vector<400x128xi1>, vector<400x128xf32>
    %get3A_21 = arith.constant 0 : index
    %get3A_22 = arith.constant 0 : index
    %get3A_23 = arith.constant 0 : index
    %get3A_24 = vector.load %arg5[%get3A_21, %get3A_22, %get3A_23] : memref<2x400x128xf32, #tpu.memory_space<vmem>>, vector<1x400x128xf32>
    %get3A_25 = vector.shape_cast %get3A_24 : vector<1x400x128xf32> to vector<400x128xf32>
    %get3A_26 = arith.constant 1 : index
    %get3A_27 = arith.constant 0 : index
    %get3A_28 = arith.constant 0 : index
    %get3A_29 = vector.load %arg5[%get3A_26, %get3A_27, %get3A_28] : memref<2x400x128xf32, #tpu.memory_space<vmem>>, vector<1x400x128xf32>
    %get3A_30 = vector.shape_cast %get3A_29 : vector<1x400x128xf32> to vector<400x128xf32>
    %add3A_31 = arith.addf %get3A_25, %get3A_30 : vector<400x128xf32>
    %slice3A_32 = vector.extract_strided_slice %add3A_31 {offsets = [0, 0], sizes = [400, 1], strides = [1, 1]} : vector<400x128xf32> to vector<400x1xf32>
    %add3A_33 = arith.constant 1.000000e+00 : f32
    %add3A_34 = vector.broadcast %add3A_33 : f32 to vector<400x1xf32>
    %add3A_35 = arith.addf %slice3A_32, %add3A_34 : vector<400x1xf32>
    %swap3A = arith.constant 0 : index
    %swap3A_36 = arith.constant 0 : index
    %swap3A_37 = vector.load %arg6[%swap3A, %swap3A_36] : memref<400x128xf32, #tpu.memory_space<vmem>>, vector<400x128xf32>
    tpu.vector_store %arg6[%swap3A, %swap3A_36], %select_n3A {strides = array<i32>} : memref<400x128xf32, #tpu.memory_space<vmem>>, vector<400x128xf32>,
    %div3A = vector.broadcast %add3A_35 : vector<400x1xf32> to vector<400x128xf32>
    %div3A_38 = arith.divf %select_n3A, %div3A : vector<400x128xf32>
    %swap3A_39 = arith.constant 0 : index
    %swap3A_40 = arith.constant 0 : index
    %swap3A_41 = vector.load %arg7[%swap3A_39, %swap3A_40] : memref<400x128xf32, #tpu.memory_space<vmem>>, vector<400x128xf32>
    tpu.vector_store %arg7[%swap3A_39, %swap3A_40], %div3A_38 {strides = array<i32>} : memref<400x128xf32, #tpu.memory_space<vmem>>, vector<400x128xf32>,
    %slice3A_42 = vector.extract_strided_slice %add3A_31 {offsets = [0, 64], sizes = [400, 1], strides = [1, 1]} : vector<400x128xf32> to vector<400x1xf32>
    %add3A_43 = arith.constant 1.000000e+00 : f32
    %add3A_44 = vector.broadcast %add3A_43 : f32 to vector<400x1xf32>
    %add3A_45 = arith.addf %slice3A_42, %add3A_44 : vector<400x1xf32>
    %swap3A_46 = arith.constant 0 : index
    %swap3A_47 = arith.constant 0 : index
    %swap3A_48 = vector.load %arg8[%swap3A_46, %swap3A_47] : memref<400x1xf32, #tpu.memory_space<vmem>>, vector<400x1xf32>
    tpu.vector_store %arg8[%swap3A_46, %swap3A_47], %add3A_45 {strides = array<i32>} : memref<400x1xf32, #tpu.memory_space<vmem>>, vector<400x1xf32>,
    %swap3A_49 = arith.constant 0 : index
    %swap3A_50 = arith.constant 0 : index
    %swap3A_51 = vector.load %arg9[%swap3A_49, %swap3A_50] : memref<400x1xf32, #tpu.memory_space<vmem>>, vector<400x1xf32>
    tpu.vector_store %arg9[%swap3A_49, %swap3A_50], %add3A_35 {strides = array<i32>} : memref<400x1xf32, #tpu.memory_space<vmem>>, vector<400x1xf32>,
    return
  }
  func.func @transform_0(%arg0: i32) -> (i32, i32) {
    %c0_i32 = arith.constant 0 : i32
    %c0_i32_0 = arith.constant 0 : i32
    return %arg0, %c0_i32 : i32, i32
  }
  func.func @transform_1(%arg0: i32) -> (i32, i32) {
    %c0_i32 = arith.constant 0 : i32
    %c0_i32_0 = arith.constant 0 : i32
    %c0_i32_1 = arith.constant 0 : i32
    return %c0_i32, %c0_i32_0 : i32, i32
  }
  func.func @transform_2(%arg0: i32) -> (i32, i32) {
    %c0_i32 = arith.constant 0 : i32
    %c0_i32_0 = arith.constant 0 : i32
    %c0_i32_1 = arith.constant 0 : i32
    return %c0_i32, %c0_i32_0 : i32, i32
  }
  func.func @transform_3(%arg0: i32) -> (i32, i32) {
    %c0_i32 = arith.constant 0 : i32
    %c0_i32_0 = arith.constant 0 : i32
    %c0_i32_1 = arith.constant 0 : i32
    return %c0_i32, %c0_i32_0 : i32, i32
  }
  func.func @transform_4(%arg0: i32) -> (i32, i32, i32) {
    %c0_i32 = arith.constant 0 : i32
    %c0_i32_0 = arith.constant 0 : i32
    %c0_i32_1 = arith.constant 0 : i32
    return %c0_i32, %arg0, %c0_i32_0 : i32, i32, i32
  }
  func.func @transform_5(%arg0: i32) -> (i32, i32) {
    %c0_i32 = arith.constant 0 : i32
    %c0_i32_0 = arith.constant 0 : i32
    return %arg0, %c0_i32 : i32, i32
  }
  func.func @transform_6(%arg0: i32) -> (i32, i32) {
    %c0_i32 = arith.constant 0 : i32
    %c0_i32_0 = arith.constant 0 : i32
    return %arg0, %c0_i32 : i32, i32
  }
  func.func @transform_7(%arg0: i32) -> (i32, i32) {
    %c0_i32 = arith.constant 0 : i32
    %c0_i32_0 = arith.constant 0 : i32
    return %arg0, %c0_i32 : i32, i32
  }
  func.func @transform_8(%arg0: i32) -> (i32, i32) {
    %c0_i32 = arith.constant 0 : i32
    %c0_i32_0 = arith.constant 0 : i32
    return %arg0, %c0_i32 : i32, i32
  }
}

module attributes {stable_mosaic.version = 14 : i64} {
  func.func @_final_kernel(%arg0: i32, %arg1: memref<400x128xf32, #tpu.memory_space<vmem>>, %arg2: memref<400x128xf32, #tpu.memory_space<vmem>>, %arg3: memref<400x1xf32, #tpu.memory_space<vmem>>, %arg4: memref<2x400x128xf32, #tpu.memory_space<vmem>>, %arg5: memref<1x128xf32, #tpu.memory_space<vmem>>, %arg6: memref<400x128xf32, #tpu.memory_space<vmem>>) attributes {dimension_semantics = [#tpu.dimension_semantics<arbitrary>], iteration_bounds = array<i64: 25>, scalar_prefetch = 0 : i64, scratch_operands = 0 : i64, tpu.core_type = #tpu.core_type<tc>, window_params = [{transform_indices = @transform_0, window_bounds = array<i64: 400, 128>}, {transform_indices = @transform_1, window_bounds = array<i64: 400, 128>}, {transform_indices = @transform_2, window_bounds = array<i64: 400, 1>}, {transform_indices = @transform_3, window_bounds = array<i64: 2, 400, 128>}, {pipeline_mode = #tpu.pipeline_mode<synchronous>, transform_indices = @transform_4, window_bounds = array<i64: 1, 128>}, {transform_indices = @transform_5, window_bounds = array<i64: 400, 128>}]} {
    %get3A = arith.constant 0 : index
    %get3A_0 = arith.constant 0 : index
    %get3A_1 = vector.load %arg3[%get3A, %get3A_0] : memref<400x1xf32, #tpu.memory_space<vmem>>, vector<400x1xf32>
    %get3A_2 = arith.constant 0 : index
    %get3A_3 = arith.constant 0 : index
    %get3A_4 = vector.load %arg1[%get3A_2, %get3A_3] : memref<400x128xf32, #tpu.memory_space<vmem>>, vector<400x128xf32>
    %mul3A = vector.broadcast %get3A_1 : vector<400x1xf32> to vector<400x128xf32>
    %mul3A_5 = arith.mulf %mul3A, %get3A_4 : vector<400x128xf32>
    %get3A_6 = arith.constant 0 : index
    %get3A_7 = arith.constant 0 : index
    %get3A_8 = vector.load %arg2[%get3A_6, %get3A_7] : memref<400x128xf32, #tpu.memory_space<vmem>>, vector<400x128xf32>
    %add3A = arith.addf %mul3A_5, %get3A_8 : vector<400x128xf32>
    %get3A_9 = arith.constant 0 : index
    %get3A_10 = arith.constant 0 : index
    %get3A_11 = arith.constant 0 : index
    %get3A_12 = vector.load %arg4[%get3A_9, %get3A_10, %get3A_11] : memref<2x400x128xf32, #tpu.memory_space<vmem>>, vector<1x400x128xf32>
    %get3A_13 = vector.shape_cast %get3A_12 : vector<1x400x128xf32> to vector<400x128xf32>
    %add3A_14 = arith.addf %add3A, %get3A_13 : vector<400x128xf32>
    %get3A_15 = arith.constant 1 : index
    %get3A_16 = arith.constant 0 : index
    %get3A_17 = arith.constant 0 : index
    %get3A_18 = vector.load %arg4[%get3A_15, %get3A_16, %get3A_17] : memref<2x400x128xf32, #tpu.memory_space<vmem>>, vector<1x400x128xf32>
    %get3A_19 = vector.shape_cast %get3A_18 : vector<1x400x128xf32> to vector<400x128xf32>
    %add3A_20 = arith.addf %add3A_14, %get3A_19 : vector<400x128xf32>
    %get3A_21 = arith.constant 0 : index
    %get3A_22 = arith.constant 0 : index
    %get3A_23 = vector.load %arg5[%get3A_21, %get3A_22] : memref<1x128xf32, #tpu.memory_space<vmem>>, vector<1x128xf32>
    %add3A_24 = vector.broadcast %get3A_23 : vector<1x128xf32> to vector<400x128xf32>
    %add3A_25 = arith.addf %add3A_20, %add3A_24 : vector<400x128xf32>
    %swap3A = arith.constant 0 : index
    %swap3A_26 = arith.constant 0 : index
    %swap3A_27 = vector.load %arg6[%swap3A, %swap3A_26] : memref<400x128xf32, #tpu.memory_space<vmem>>, vector<400x128xf32>
    tpu.vector_store %arg6[%swap3A, %swap3A_26], %add3A_25 {strides = array<i32>} : memref<400x128xf32, #tpu.memory_space<vmem>>, vector<400x128xf32>,
    return
  }
  func.func @transform_0(%arg0: i32) -> (i32, i32) {
    %c0_i32 = arith.constant 0 : i32
    %c0_i32_0 = arith.constant 0 : i32
    return %arg0, %c0_i32 : i32, i32
  }
  func.func @transform_1(%arg0: i32) -> (i32, i32) {
    %c0_i32 = arith.constant 0 : i32
    %c0_i32_0 = arith.constant 0 : i32
    return %arg0, %c0_i32 : i32, i32
  }
  func.func @transform_2(%arg0: i32) -> (i32, i32) {
    %c0_i32 = arith.constant 0 : i32
    %c0_i32_0 = arith.constant 0 : i32
    return %arg0, %c0_i32 : i32, i32
  }
  func.func @transform_3(%arg0: i32) -> (i32, i32, i32) {
    %c0_i32 = arith.constant 0 : i32
    %c0_i32_0 = arith.constant 0 : i32
    %c0_i32_1 = arith.constant 0 : i32
    return %c0_i32, %arg0, %c0_i32_0 : i32, i32, i32
  }
  func.func @transform_4(%arg0: i32) -> (i32, i32) {
    %c0_i32 = arith.constant 0 : i32
    %c0_i32_0 = arith.constant 0 : i32
    %c0_i32_1 = arith.constant 0 : i32
    return %c0_i32, %c0_i32_0 : i32, i32
  }
  func.func @transform_5(%arg0: i32) -> (i32, i32) {
    %c0_i32 = arith.constant 0 : i32
    %c0_i32_0 = arith.constant 0 : i32
    return %arg0, %c0_i32 : i32, i32
  }
}

</mosaic_0001>

<sc_bundles>
// kernel: kernel.11.cloned.1.call-start
scs
__scs_entry_jumppad:
0x0: {  	(pc) =	sbr.rel $0x88, $3  }
0x1: {  	(tag) =	ssettag $0x0;
	lr =	simm.s32 $0x1  }
0x2: {  	[smem:$0x3F98] =	sst lr;
	_ =	strace $0xD0000000  }
0x3: {  	_ = 	snop  }
0x4: {  	_ = 	snop  }
0x5: {  	_ = 	snop  }
0x6: {  	_ = 	snop  }
0x7: {  	_ = 	snop  }
__scs_overlays_trampoline_lowered:
0x8: {  	[smem:$0x3FA7] =	sst s0  }
0x9: {  	[smem:$0x3FA8] =	sst s1  }
0xa: {  	[smem:$0x3FA9] =	sst s2  }
0xb: {  	[smem:$0x3FAA] =	sst s3  }
0xc: {  	[smem:$0x3FAB] =	sst s4  }
0xd: {  	[smem:$0x3FAC] =	sst s5  }
0xe: {  	[smem:$0x3FAD] =	sst s6  }
0xf: {  	[smem:$0x3FAE] =	sst s7  }
0x10: {  	[smem:$0x3FAF] =	sst s8  }
0x11: {  	[smem:$0x3FB0] =	sst s9;
	s0 =	simm.s32 @!p0 $0x0  }
0x12: {  	s1 =	sld [smem:$0x3F96];
	s0 =	simm.s32 @p0 $0x1  }
0x13: {  	[smem:$0x3FB1] =	sst s0;
	s0 =	simm.s32 @!p1 $0x0  }
0x14: {  	s2 =	sld [smem:$0x3F95];
	s0 =	simm.s32 @p1 $0x1  }
0x15: {  	[smem:$0x3FB2] =	sst s0;
	s0 =	simm.s32 @!p2 $0x0  }
0x16: {  	s3 =	sld [smem:$0x3FDB];
	s0 =	simm.s32 @p2 $0x1  }
0x17: {  	s4 =	simm.s32 $0x1BF5;
	[smem:$0x3FB4] =	sst s0  }
0x18: {  	s0 =	sld [smem:$0x3F97];
	_ =	swait.ge [sflag:s4], $0x0  }
0x19: {  	s7 =	sld [smem:$0x3F98]  }
0x1a: {  	s8 =	sadd.s32 $0xFFFFE003, lr  }
0x1b: {  	s9 =	sadd.s32 $0xFFFFFEF7, lr;
	s5 =	simm.s32 $0xFFFFFFFF;
	p2 =	slt.u32 s8, $0xFFFFF086  }
0x1c: {  	p1 =	slt.u32 s9, $0xF7A;
	s5 =	simm.s32 @!p2 $0x0  }
0x1d: {  	s5 =	simm.s32 @p1 $0x1;
	p0 =	seq.s32 s7, s2  }
0x1e: {  	s7 =	smul.u32 @!p0 $0xF7A, s2;
	p2 =	seq.s32 @!p0 s5, $0x0  }
0x1f: {  	s9 =	smul.u32 $0xF7A, s1;
	s8 =	simm.s32 @!p0 $0x1BF5;
	p2 =	por !p2, p0  }
0x20: {  	[sflag:s8] =	ssyncset.s32 @!p0 $0xFFFFF086;
	s6 =	sadd.s32 @!p0 s3, s7;
	s7 =	simm.s32 @!p0 $0x108  }
0x21: {  	s3 =	sadd.s32 s3, s9;
	s6 =	sadd.s32 @!p0 $0x88, s6;
	s7 =	simm.s32 @p2 $0x1082  }
0x22: {  	[simem:s7], [sflag:s8] =	dma.local @!p0 [hbm:s6], $0xF7A  }
0x23: {  	s9 =	sor.u32 $0xD0000000, s2;
	s6 =	simm.s32 $0x108;
	_ =	swait.ge @!p0 [sflag:s8], $0x0  }
0x24: {  	s3 =	sadd.s32 $0x88, s3;
	s6 =	simm.s32 @!p1 $0x1082;
	[sflag:s4] =	ssyncset.s32 $0xFFFFF086  }
0x25: {  	[simem:s6], [sflag:s4] =	dma.local [hbm:s3], $0xF7A  }
0x26: {  	[smem:$0x3F98] =	sst s1;
	(tag) =	ssettag s2;
	_ =	strace s9  }
0x27: {  	s1 =	sld [smem:$0x3FA8]  }
0x28: {  	s2 =	sld [smem:$0x3FA9]  }
0x29: {  	s4 =	sld [smem:$0x3FAB]  }
0x2a: {  	p0 =	seq.s32 s5, $0x0;
	s5 =	sld [smem:$0x3FAC]  }
0x2b: {  	s6 =	sld [smem:$0x3FAD]  }
0x2c: {  	s7 =	sld [smem:$0x3FAE]  }
0x2d: {  	s3 =	simm.s32 $0x108;
	s8 =	sld [smem:$0x3FAF]  }
0x2e: {  	s3 =	simm.s32 @!p0 $0x1082;
	s9 =	sld [smem:$0x3FB0]  }
0x2f: {  	lr =	sadd.s32 s0, s3;
	s0 =	sld [smem:$0x3FA7]  }
0x30: {  	s3 =	sld [smem:$0x3FAA]  }
0x31: {  	[smem:$0x3FB3] =	sst s10  }
0x32: {  	s10 =	sld [smem:$0x3FB1];
	_ =	sdelay $0x3  }
0x33: {  	p0 =	seq.s32 s10, $0x1;
	s10 =	sld [smem:$0x3FB3];
	_ =	sdelay $0x3  }
0x34: {  	[smem:$0x3FB3] =	sst s10  }
0x35: {  	s10 =	sld [smem:$0x3FB2];
	_ =	sdelay $0x3  }
0x36: {  	p1 =	seq.s32 s10, $0x1;
	s10 =	sld [smem:$0x3FB3];
	_ =	sdelay $0x3  }
0x37: {  	[smem:$0x3FB3] =	sst s10  }
0x38: {  	s10 =	sld [smem:$0x3FB4]  }
0x39: {  	_ = 	snop;
	(pc) =	sbr.ind lr, $3  }
0x3a: {  	_ = 	snop  }
0x3b: {  	_ = 	snop  }
0x3c: {  	p2 =	seq.s32 s10, $0x1;
	s10 =	sld [smem:$0x3FB3]  }
0x3d: {  	_ =	shalt  }
0x3e: {  	_ =	shalt  }
0x3f: {  	_ =	shalt  }
0x40: {  	_ =	shalt  }
0x41: {  	_ =	shalt  }
0x42: {  	_ =	shalt  }
0x43: {  	_ =	shalt  }
0x44: {  	_ =	shalt  }
0x45: {  	_ =	shalt  }
0x46: {  	_ =	shalt  }
0x47: {  	_ =	shalt  }
0x48: {  	_ =	shalt  }
0x49: {  	_ =	shalt  }
0x4a: {  	_ =	shalt  }
0x4b: {  	_ =	shalt  }
0x4c: {  	_ =	shalt  }
0x4d: {  	_ =	shalt  }
0x4e: {  	_ =	shalt  }
0x4f: {  	_ =	shalt  }
0x50: {  	_ =	shalt  }
0x51: {  	_ =	shalt  }
0x52: {  	_ =	shalt  }
0x53: {  	_ =	shalt  }
0x54: {  	_ =	shalt  }
0x55: {  	_ =	shalt  }
0x56: {  	_ =	shalt  }
0x57: {  	_ =	shalt  }
0x58: {  	_ =	shalt  }
0x59: {  	_ =	shalt  }
0x5a: {  	_ =	shalt  }
0x5b: {  	_ =	shalt  }
0x5c: {  	_ =	shalt  }
0x5d: {  	_ =	shalt  }
0x5e: {  	_ =	shalt  }
0x5f: {  	_ =	shalt  }
0x60: {  	_ =	shalt  }
0x61: {  	_ =	shalt  }
0x62: {  	_ =	shalt  }
0x63: {  	_ =	shalt  }
0x64: {  	_ =	shalt  }
0x65: {  	_ =	shalt  }
0x66: {  	_ =	shalt  }
0x67: {  	_ =	shalt  }
0x68: {  	_ =	shalt  }
0x69: {  	_ =	shalt  }
0x6a: {  	_ =	shalt  }
0x6b: {  	_ =	shalt  }
0x6c: {  	_ =	shalt  }
0x6d: {  	_ =	shalt  }
0x6e: {  	_ =	shalt  }
0x6f: {  	_ =	shalt  }
0x70: {  	_ =	shalt  }
0x71: {  	_ =	shalt  }
0x72: {  	_ =	shalt  }
0x73: {  	_ =	shalt  }
0x74: {  	_ =	shalt  }
0x75: {  	_ =	shalt  }
0x76: {  	_ =	shalt  }
0x77: {  	_ =	shalt  }
0x78: {  	_ =	shalt  }
0x79: {  	_ =	shalt  }
0x7a: {  	_ =	shalt  }
0x7b: {  	_ =	shalt  }
0x7c: {  	_ =	shalt  }
0x7d: {  	_ =	shalt  }
0x7e: {  	_ =	shalt  }
0x7f: {  	_ =	shalt  }
0x80: {  	_ =	shalt  }
0x81: {  	_ =	shalt  }
0x82: {  	_ =	shalt  }
0x83: {  	_ =	shalt  }
0x84: {  	_ =	shalt  }
0x85: {  	_ =	shalt  }
0x86: {  	_ =	shalt  }
0x87: {  	_ =	shalt  }
.Lfunc_end0:
.L_simem_size_0:
called_computation.1_lowered:
.L_overlay_start_0:
0x88: {  	s2 =	sld [smem:$0x3FD9]  }
0x89: {  	s3 =	sld [smem:$0x3FFE];
	_ =	sdelay $0x1  }
0x8a: {  	s1 =	srdreg.scid  }
0x8b: {  	s0 =	sand.u32 $0x1, s1  }
0x8c: {  	s17 =	sshll.u32 s0, $0xA;
	s2 =	sadd.s32 s3, s2  }
0x8d: {  	s2 =	sadd.s32 s2, s17  }
0x8e: {  	[smem:$0x3FBF] =	sst s2  }
0x8f: {  	_ = 	snop  }
0x90: {  	s2 =	sld [smem:$0x3FD0];
	(tm) =	ssettm $0x1  }
0x91: {  	s18 =	sld [smem:$0x3FFB];
	_ =	sdelay $0x3  }
0x92: {  	_ =	strace s18  }
0x93: {  	s3 =	sld [smem:$0x3FFC];
	_ =	sdelay $0x3  }
0x94: {  	_ =	strace s3  }
0x95: {  	s3 =	sld [smem:$0x3FFD];
	_ =	sdelay $0x3  }
0x96: {  	_ =	strace s3  }
0x97: {  	_ =	strace $0x8FFFFFFF  }
0x98: {  	s19 =	sld [smem:$0x3FDB];
	_ =	sdelay $0x1  }
0x99: {  	s4 =	simm.s32 $_scs_section_size  }
0x9a: {  	s5 =	simm.s32 $_size__tile_overlayer_lowered;
	s6 =	simm.s32 $_tile_overlayer_lowered  }
0x9b: {  	s22 =	simm.s32 $0x1BFF;
	s21 =	sshll.u32 s6, $0x1;
	s3 =	sadd.s32 s4, s19  }
0x9c: {  	s7 =	simm.s32 $0x0;
	s20 =	sshll.u32 s5, $0x1;
	s5 =	sadd.s32 s21, s3  }
0x9d: {  	[timem:s7], [sflag:s22] =	dma.local [hbm:s5], s20  }
0x9e: {  	_ =	swait.ge [sflag:s22], s20  }
0x9f: {  	s4 =	ssub.s32 $0x0, s20;
	[sflag:s22] =	ssyncset.done $0x0  }
0xa0: {  	[sflag:s22] =	ssyncadd.s32 s4;
	_ =	sdelay $0x1  }
0xa1: {  	s23 =	simm.s32 $0x1B8B  }
0xa2: {  	_ =	swait.ge [sflag:s23], $0x1  }
0xa3: {  	[sflag:s23] =	ssyncset.done $0x0  }
0xa4: {  	s25 =	simm.s32 $0x1B8E;
	s24 =	sld [smem:$0x3FFE];
	[sflag:s23] =	ssyncadd.s32 $0xFFFFFFFF  }
0xa5: {  	s26 =	simm.s32 $execute0_lowered;
	[smem:$0x3FD2] =	sst s25  }
0xa6: {  	s5 =	sshll.u32 s26, $0x1;
	_ =	strace $0x80000049;
	[dreg:$0x1] =	wrdreg $0xFFFFFFFF  }
0xa7: {  	s28 =	simm.s32 $_size_execute0_lowered;
	s3 =	sadd.s32 s3, s5;
	[dreg:$0x0] =	wrdreg $0x0  }
0xa8: {  	s5 =	sshll.u32 s28, $0x1;
	[dreg:$0x2] =	wrdreg s3  }
0xa9: {  	[dreg:$0x3] =	wrdreg s5  }
0xaa: {  	[dreg:$0x4] =	wrdreg $0xC0  }
0xab: {  	_ =	task [dreg:s7], $0x5FFFF  }
0xac: {  	[dreg:$0x1] =	wrdreg $0xFFFFFFFF  }
0xad: {  	[dreg:$0x0] =	wrdreg $0x60  }
0xae: {  	[dreg:$0x2] =	wrdreg s24  }
0xaf: {  	[dreg:$0x3] =	wrdreg s2  }
0xb0: {  	[dreg:$0x4] =	wrdreg $0x0  }
0xb1: {  	[dreg:$0x5] =	wrdreg $0x9  }
0xb2: {  	_ =	task.clear_ibuf [dreg:s7], $0x6FFFF;
	_ =	strace $0x90000049  }
0xb3: {  	s29 =	simm.s32 $0x9;
	_ =	strace $0x8000004B  }
0xb4: {  	_ =	swait.ge [sflag:s29], $0x1  }
0xb5: {  	[sflag:s29] =	ssyncadd.s32 $0xFFFFFFFF  }
0xb6: {  	_ =	strace $0x9000004B  }
0xb7: {  	_ =	sfence  }
0xb8: {  	s30 =	sld [smem:$0x0];
	_ =	sdelay $0x2  }
0xb9: {  	s31 =	sshll.u32 s1, $0xD;
	s1 =	sshrl.u32 s1, $0x2  }
0xba: {  	s3 =	sand.u32 $0x4000, s31;
	s1 =	sadd.s32 s1, s30  }
0xbb: {  	s0 =	sor.u32 s3, s0;
	s1 =	sshll.u32 s1, $0x11  }
0xbc: {  	s0 =	sor.u32 s1, s0  }
0xbd: {  	s0 =	sadd.s32 $0x8F2B, s0  }
0xbe: {  	[sflag:s0] =	ssyncadd.remote.s32 $0x1  }
0xbf: {  	_ =	sfence.sel $0xFFFF  }
0xc0: {  	[dreg:$0x0] =	wrdreg $0xFFFFFFFF;
	(pc) =	sbr.abs _section_cstart, $3  }
0xc1: {  	[dreg:$0x1] =	wrdreg $0xFFFFFFFF  }
0xc2: {  	_ =	task.clear_ibuf [dreg:s7], $0x2FFFF;
	_ =	strace $0x9FFFFFFF  }
0xc3: {  	(tm) =	ssettm $0x7FFFFFFF  }
tec
execute0_lowered:
.L_overlay_start_1:
0x0: {  	(tag) =	ssettag $0x1  }
0x1: {  	s0 =	rddreg [dreg:$0x0]  }
0x2: {  	s2 =	rddreg [dreg:$0x1]  }
0x3: {  	s3 =	rddreg [dreg:$0x2]  }
0x4: {  	s12 =	stileid.u32;
	s1 =	srdreg.scid  }
0x5: {  	s4 =	simm.s32 $0x0;
	s28 =	simm.s32 $0x1;
	s29 =	simm.s32 $0x14100  }
0x6: {  	s30 =	simm.s32 $0x2;
	s31 =	simm.s32 $0x14180;
	s6 =	smul.u32 $0x14000, s12  }
0x7: {  	s1 =	sand.u32 $0x1, s1;
	[smem:$0x7FF] =	sst s4;
	s11 =	smul.u32 $0x50000, s12  }
0x8: {  	s5 =	sadd.s32 $0xCE00, s0;
	s16 =	sshll.u32 s12, $0x6;
	s19 =	smul.u32 $0x2710, s12  }
0x9: {  	s7 =	smul.u32 $0x140000, s1;
	_ =	strace $0x8000004A;
	s9 =	ssub.s32 $0x2, s1  }
0xa: {  	s10 =	sshll.u32 s1, $0x4;
	s1 =	smul.u32 $0x27100, s1;
	s8 =	sshrl.u32 s6, $0x3  }
0xb: {  	s13 =	sshrl.u32 s9, $0x1;
	s10 =	sor.u32 s12, s10;
	s15 =	sshrl.u32 s11, $0x2  }
0xc: {  	s6 =	sadd.s32 s6, s7;
	s7 =	sadd.s32 $0x3000, s0;
	s8 =	sadd.s32 s8, s0  }
0xd: {  	s14 =	smul.u32 $0x2710, s10;
	s10 =	sadd.s32 s15, s3;
	s1 =	sadd.s32 s19, s1  }
0xe: {  	s6 =	sshrl.u32 s6, $0x3;
	[dreg:$0x4] =	wrdreg s10;
	s8 =	sadd.s32 $0x17C00, s8  }
0xf: {  	s25 =	sadd.s32 $0x80, s1;
	s26 =	sshrl.u32 s1, $0x3;
	s0 =	sadd.s32 s6, s0  }
0x10: {  	s6 =	ssub.s32 s9, s13;
	[dreg:$0x5] =	wrdreg s8;
	s9 =	sshrl.u32 s14, $0x3  }
0x11: {  	s8 =	sor.u32 $0x1C04, s16;
	s17 =	sadd.s32 s5, s9;
	s18 =	sadd.s32 $0x4E0, s9  }
0x12: {  	s0 =	sadd.s32 $0x8E000, s0;
	s21 =	smax.u32 s6, $0x1;
	s22 =	sadd.s32 $0x4D0, s9  }
0x13: {  	s24 =	sadd.s32 s7, s9;
	s9 =	sshrl.u32 s25, $0x3;
	[dreg:$0x6] =	wrdreg s17  }
0x14: {  	s25 =	simm.s32 $0x14080;
	s20 =	sadd.s32 s5, s18;
	[dreg:$0x9] =	wrdreg s0  }
0x15: {  	s10 =	sadd.s32 s7, s18;
	[dreg:$0xa] =	wrdreg s21;
	s23 =	sadd.s32 s5, s22  }
0x16: {  	s6 =	sadd.s32 $0x4C0, s24;
	s0 =	sadd.s32 s7, s22;
	s17 =	sadd.s32 s26, s7  }
0x17: {  	s18 =	sadd.s32 s9, s7;
	s19 =	sadd.s32 s9, s5;
	[dreg:$0x7] =	wrdreg s20  }
0x18: {  	s21 =	simm.s32 $0x4;
	s22 =	simm.s32 $0x14000;
	[dreg:$0x8] =	wrdreg s10  }
0x19: {  	s24 =	simm.s32 $0x14300;
	s26 =	simm.s32 $0x18300;
	[dreg:$0xb] =	wrdreg s23  }
0x1a: {  	s7 =	simm.s32 $0x3;
	s9 =	simm.s32 $0x14280;
	[dreg:$0xc] =	wrdreg s6  }
0x1b: {  	[dreg:$0xd] =	wrdreg s0;
	s20 =	sadd.s32 $0x100, s1;
	s23 =	simm.s32 $0x80  }
0x1c: {  	s1 =	simm.s32 $0x10;
	s6 =	simm.s32 $0x1C300;
	s10 =	simm.s32 $0x0  }
.LBB2_1:
0x1d: {  	s0 =	rddreg [dreg:$0x4]  }
0x1e: {  	s12 =	rddreg [dreg:$0x5];
	s11 =	sshrl.u32 s0, $0x3  }
0x1f: {  	[spmem:s11], [sflag:s8] =	dma.local [hbm:s12], $0x2800  }
0x20: {  	_ =	swait.ge [sflag:s21], $0x2800  }
0x21: {  	[sflag:s21] =	ssyncset.done $0x0  }
0x22: {  	[sflag:s21] =	ssyncadd.s32 $0xFFFFD800  }
0x23: {  	[bflag:$0x0] =	sbarrier.arrive $0xFFFF  }
0x24: {  	s13 =	rddreg [dreg:$0x6]  }
0x25: {  	[tilespmem:s22], [sflag:$0x4] =	stream.linear.gather [hbm4b:s13+s4], $0x80, $0x38;
	[tilespmem:$0x1CB00] =	vst v63  }
0x26: {  	_ =	swait.ge [sflag:s21], $0x80  }
0x27: {  	[sflag:s21] =	ssyncset.done $0x0  }
0x28: {  	[sflag:s21] =	ssyncadd.s32 $0xFFFFFF80  }
0x29: {  	[tilespmem:s24], [sflag:$0x1] =	stream.indirect.gather [hbm4b:s2+s23], $0x80, s22, s23, $0xb8;
	[tilespmem:$0x1CB00] =	vst v63  }
0x2a: {  	s12 =	sadd.s32 $0x0, s19  }
0x2b: {  	[tilespmem:s25], [sflag:$0x4] =	stream.linear.gather [hbm4b:s12+s4], $0x80, $0x38;
	[tilespmem:$0x1CB00] =	vst v63  }
0x2c: {  	_ =	swait.ge [sflag:s21], $0x80  }
0x2d: {  	[sflag:s21] =	ssyncset.done $0x0  }
0x2e: {  	[sflag:s21] =	ssyncadd.s32 $0xFFFFFF80  }
0x2f: {  	[tilespmem:s26], [sflag:$0x2] =	stream.indirect.gather [hbm4b:s2+s23], $0x80, s25, s23, $0xb8;
	[tilespmem:$0x1CB00] =	vst v63  }
0x30: {  	_ =	swait.ge [sflag:s28], $0x4000  }
0x31: {  	[sflag:s28] =	ssyncset.done $0x0  }
0x32: {  	s14 =	sadd.s32 $0x0, s17;
	[sflag:s28] =	ssyncadd.s32 $0xFFFFC000  }
0x33: {  	[tilespmem:s29], [sflag:$0x4] =	stream.linear.gather [hbm4b:s14+s4], $0x80, $0x38;
	[tilespmem:$0x1CB00] =	vst v63  }
0x34: {  	_ =	swait.ge [sflag:s21], $0x80  }
0x35: {  	[sflag:s21] =	ssyncset.done $0x0  }
0x36: {  	[sflag:s21] =	ssyncadd.s32 $0xFFFFFF80  }
0x37: {  	[spmem:s3] =	stream.indirect.scatter.add.f32 [tilespmem:s24], [sflag:$0x4], $0x80, s29, s23, $0xb8;
	[tilespmem:$0x1CB00] =	vst v63  }
0x38: {  	_ =	swait.ge [sflag:s21], $0x4000  }
0x39: {  	s15 =	sshrl.u32 s20, $0x3;
	[sflag:s21] =	ssyncset.done $0x0  }
0x3a: {  	s12 =	sadd.s32 s5, s15;
	[sflag:s21] =	ssyncadd.s32 $0xFFFFC000  }
0x3b: {  	[tilespmem:s22], [sflag:$0x4] =	stream.linear.gather [hbm4b:s12+s4], $0x80, $0x38;
	[tilespmem:$0x1CB00] =	vst v63  }
0x3c: {  	_ =	swait.ge [sflag:s21], $0x80  }
0x3d: {  	[sflag:s21] =	ssyncset.done $0x0  }
0x3e: {  	[sflag:s21] =	ssyncadd.s32 $0xFFFFFF80  }
0x3f: {  	[tilespmem:s24], [sflag:$0x1] =	stream.indirect.gather [hbm4b:s2+s23], $0x80, s22, s23, $0xb8;
	[tilespmem:$0x1CB00] =	vst v63  }
0x40: {  	_ =	swait.ge [sflag:s30], $0x4000  }
0x41: {  	[sflag:s30] =	ssyncset.done $0x0  }
0x42: {  	s16 =	sadd.s32 $0x0, s18;
	[sflag:s30] =	ssyncadd.s32 $0xFFFFC000  }
0x43: {  	[tilespmem:s31], [sflag:$0x4] =	stream.linear.gather [hbm4b:s16+s4], $0x80, $0x38;
	[tilespmem:$0x1CB00] =	vst v63  }
0x44: {  	_ =	swait.ge [sflag:s21], $0x80  }
0x45: {  	[sflag:s21] =	ssyncset.done $0x0  }
0x46: {  	[sflag:s21] =	ssyncadd.s32 $0xFFFFFF80  }
0x47: {  	[spmem:s3] =	stream.indirect.scatter.add.f32 [tilespmem:s26], [sflag:$0x4], $0x80, s31, s23, $0xb8;
	[tilespmem:$0x1CB00] =	vst v63  }
0x48: {  	s13 =	sadd.s32 $0x100, s20;
	_ =	swait.ge [sflag:s21], $0x4000  }
0x49: {  	s14 =	simm.s32 $0x40;
	s12 =	simm.s32 $0x20;
	[sflag:s21] =	ssyncset.done $0x0  }
.LBB2_2:
0x4a: {  	s16 =	sadd.s32 s12, s19  }
0x4b: {  	[sflag:s21] =	ssyncadd.s32 $0xFFFFC000;
	s0 =	smov.u32 s14;
	s15 =	sadd.s32 $0x20, s14  }
0x4c: {  	[tilespmem:s25], [sflag:$0x4] =	stream.linear.gather [hbm4b:s16+s4], $0x80, $0x38;
	[tilespmem:$0x1CB00] =	vst v63  }
0x4d: {  	p0 =	sne.s32 s14, $0x4A0;
	_ =	swait.ge [sflag:s21], $0x80  }
0x4e: {  	[sflag:s21] =	ssyncset.done $0x0  }
0x4f: {  	[sflag:s21] =	ssyncadd.s32 $0xFFFFFF80  }
0x50: {  	[tilespmem:s26], [sflag:$0x2] =	stream.indirect.gather [hbm4b:s2+s23], $0x80, s25, s23, $0xb8;
	[tilespmem:$0x1CB00] =	vst v63  }
0x51: {  	_ =	swait.ge [sflag:s28], $0x4000  }
0x52: {  	[sflag:s28] =	ssyncset.done $0x0  }
0x53: {  	s14 =	sadd.s32 s12, s17;
	[sflag:s28] =	ssyncadd.s32 $0xFFFFC000  }
0x54: {  	[tilespmem:s29], [sflag:$0x4] =	stream.linear.gather [hbm4b:s14+s4], $0x80, $0x38;
	[tilespmem:$0x1CB00] =	vst v63  }
0x55: {  	_ =	swait.ge [sflag:s21], $0x80  }
0x56: {  	[sflag:s21] =	ssyncset.done $0x0  }
0x57: {  	[sflag:s21] =	ssyncadd.s32 $0xFFFFFF80  }
0x58: {  	[spmem:s3] =	stream.indirect.scatter.add.f32 [tilespmem:s24], [sflag:$0x4], $0x80, s29, s23, $0xb8;
	[tilespmem:$0x1CB00] =	vst v63  }
0x59: {  	_ =	swait.ge [sflag:s21], $0x4000  }
0x5a: {  	s14 =	sshrl.u32 s13, $0x3;
	[sflag:s21] =	ssyncset.done $0x0  }
0x5b: {  	s14 =	sadd.s32 s5, s14;
	[sflag:s21] =	ssyncadd.s32 $0xFFFFC000  }
0x5c: {  	[tilespmem:s22], [sflag:$0x4] =	stream.linear.gather [hbm4b:s14+s4], $0x80, $0x38;
	[tilespmem:$0x1CB00] =	vst v63  }
0x5d: {  	_ =	swait.ge [sflag:s21], $0x80  }
0x5e: {  	[sflag:s21] =	ssyncset.done $0x0  }
0x5f: {  	[sflag:s21] =	ssyncadd.s32 $0xFFFFFF80  }
0x60: {  	[tilespmem:s24], [sflag:$0x1] =	stream.indirect.gather [hbm4b:s2+s23], $0x80, s22, s23, $0xb8;
	[tilespmem:$0x1CB00] =	vst v63  }
0x61: {  	_ =	swait.ge [sflag:s30], $0x4000  }
0x62: {  	[sflag:s30] =	ssyncset.done $0x0  }
0x63: {  	s14 =	sadd.s32 s12, s18;
	s12 =	smov.u32 s0;
	[sflag:s30] =	ssyncadd.s32 $0xFFFFC000  }
0x64: {  	[tilespmem:s31], [sflag:$0x4] =	stream.linear.gather [hbm4b:s14+s4], $0x80, $0x38;
	[tilespmem:$0x1CB00] =	vst v63  }
0x65: {  	_ =	swait.ge [sflag:s21], $0x80  }
.Ltmp0:
0x66: {  	[sflag:s21] =	ssyncset.done $0x0;
	(pc) =	sbr.rel @p0 .LBB2_2-.Ltmp0, $4  }
0x67: {  	[sflag:s21] =	ssyncadd.s32 $0xFFFFFF80  }
0x68: {  	[spmem:s3] =	stream.indirect.scatter.add.f32 [tilespmem:s26], [sflag:$0x4], $0x80, s31, s23, $0xb8;
	[tilespmem:$0x1CB00] =	vst v63  }
0x69: {  	_ =	swait.ge [sflag:s21], $0x4000  }
0x6a: {  	s13 =	sadd.s32 $0x100, s13;
	s14 =	smov.u32 s15;
	[sflag:s21] =	ssyncset.done $0x0  }
0x6b: {  	s0 =	sadd.s32 s12, s19;
	[sflag:s21] =	ssyncadd.s32 $0xFFFFC000  }
0x6c: {  	[tilespmem:s25], [sflag:$0x4] =	stream.linear.gather [hbm4b:s0+s4], $0x80, $0x38;
	[tilespmem:$0x1CB00] =	vst v63  }
0x6d: {  	_ =	swait.ge [sflag:s21], $0x80  }
0x6e: {  	[sflag:s21] =	ssyncset.done $0x0  }
0x6f: {  	[sflag:s21] =	ssyncadd.s32 $0xFFFFFF80  }
0x70: {  	[tilespmem:s26], [sflag:$0x2] =	stream.indirect.gather [hbm4b:s2+s23], $0x80, s25, s23, $0xb8;
	[tilespmem:$0x1CB00] =	vst v63  }
0x71: {  	_ =	swait.ge [sflag:s28], $0x4000  }
0x72: {  	[sflag:s28] =	ssyncset.done $0x0  }
0x73: {  	s15 =	sadd.s32 s12, s17;
	[sflag:s28] =	ssyncadd.s32 $0xFFFFC000  }
0x74: {  	[tilespmem:s29], [sflag:$0x4] =	stream.linear.gather [hbm4b:s15+s4], $0x80, $0x38;
	[tilespmem:$0x1CB00] =	vst v63  }
0x75: {  	_ =	swait.ge [sflag:s21], $0x80  }
0x76: {  	[sflag:s21] =	ssyncset.done $0x0  }
0x77: {  	[sflag:s21] =	ssyncadd.s32 $0xFFFFFF80  }
0x78: {  	[spmem:s3] =	stream.indirect.scatter.add.f32 [tilespmem:s24], [sflag:$0x4], $0x80, s29, s23, $0xb8;
	[tilespmem:$0x1CB00] =	vst v63  }
0x79: {  	_ =	swait.ge [sflag:s21], $0x4000  }
0x7a: {  	s16 =	sshrl.u32 s13, $0x3;
	[sflag:s21] =	ssyncset.done $0x0  }
0x7b: {  	s0 =	sadd.s32 s5, s16;
	[sflag:s21] =	ssyncadd.s32 $0xFFFFC000  }
0x7c: {  	[tilespmem:s22], [sflag:$0x4] =	stream.linear.gather [hbm4b:s0+s4], $0x80, $0x38;
	[tilespmem:$0x1CB00] =	vst v63  }
0x7d: {  	_ =	swait.ge [sflag:s21], $0x80  }
0x7e: {  	[sflag:s21] =	ssyncset.done $0x0  }
0x7f: {  	[sflag:s21] =	ssyncadd.s32 $0xFFFFFF80  }
0x80: {  	[tilespmem:s24], [sflag:$0x1] =	stream.indirect.gather [hbm4b:s2+s23], $0x80, s22, s23, $0xb8;
	[tilespmem:$0x1CB00] =	vst v63  }
0x81: {  	_ =	swait.ge [sflag:s30], $0x4000  }
0x82: {  	[sflag:s30] =	ssyncset.done $0x0  }
0x83: {  	s13 =	sadd.s32 s12, s18;
	[sflag:s30] =	ssyncadd.s32 $0xFFFFC000  }
0x84: {  	[tilespmem:s31], [sflag:$0x4] =	stream.linear.gather [hbm4b:s13+s4], $0x80, $0x38;
	[tilespmem:$0x1CB00] =	vst v63  }
0x85: {  	_ =	swait.ge [sflag:s21], $0x80  }
0x86: {  	[sflag:s21] =	ssyncset.done $0x0  }
0x87: {  	[sflag:s21] =	ssyncadd.s32 $0xFFFFFF80  }
0x88: {  	[spmem:s3] =	stream.indirect.scatter.add.f32 [tilespmem:s26], [sflag:$0x4], $0x80, s31, s23, $0xb8;
	[tilespmem:$0x1CB00] =	vst v63  }
0x89: {  	_ =	swait.ge [sflag:s21], $0x4000  }
0x8a: {  	[sflag:s21] =	ssyncset.done $0x0  }
0x8b: {  	s14 =	rddreg [dreg:$0xb];
	[sflag:s21] =	ssyncadd.s32 $0xFFFFC000  }
0x8c: {  	[tilespmem:s25], [sflag:$0x4] =	stream.linear.gather [hbm4b:s14+s4], $0x80, $0x38;
	[tilespmem:$0x1CB00] =	vst v63  }
0x8d: {  	_ =	swait.ge [sflag:s21], $0x80  }
0x8e: {  	[sflag:s21] =	ssyncset.done $0x0  }
0x8f: {  	[sflag:s21] =	ssyncadd.s32 $0xFFFFFF80  }
0x90: {  	[tilespmem:s26], [sflag:$0x2] =	stream.indirect.gather [hbm4b:s2+s23], $0x80, s25, s23, $0xb8;
	[tilespmem:$0x1CB00] =	vst v63  }
0x91: {  	_ =	swait.ge [sflag:s28], $0x4000  }
0x92: {  	[sflag:s28] =	ssyncset.done $0x0  }
0x93: {  	s15 =	rddreg [dreg:$0xc];
	[sflag:s28] =	ssyncadd.s32 $0xFFFFC000  }
0x94: {  	[tilespmem:s29], [sflag:$0x4] =	stream.linear.gather [hbm4b:s15+s4], $0x80, $0x38;
	[tilespmem:$0x1CB00] =	vst v63  }
0x95: {  	_ =	swait.ge [sflag:s21], $0x80  }
0x96: {  	[sflag:s21] =	ssyncset.done $0x0  }
0x97: {  	[sflag:s21] =	ssyncadd.s32 $0xFFFFFF80  }
0x98: {  	[spmem:s3] =	stream.indirect.scatter.add.f32 [tilespmem:s24], [sflag:$0x4], $0x80, s29, s23, $0xb8;
	[tilespmem:$0x1CB00] =	vst v63  }
0x99: {  	_ =	swait.ge [sflag:s21], $0x4000  }
0x9a: {  	[sflag:s21] =	ssyncset.done $0x0  }
0x9b: {  	[sflag:s21] =	ssyncadd.s32 $0xFFFFC000  }
0x9c: {  	_ =	swait.ge [sflag:s30], $0x4000  }
0x9d: {  	[sflag:s30] =	ssyncset.done $0x0  }
0x9e: {  	s16 =	rddreg [dreg:$0xd];
	[sflag:s30] =	ssyncadd.s32 $0xFFFFC000  }
0x9f: {  	[tilespmem:s31], [sflag:$0x4] =	stream.linear.gather [hbm4b:s16+s4], $0x80, $0x38;
	[tilespmem:$0x1CB00] =	vst v63  }
0xa0: {  	_ =	swait.ge [sflag:s21], $0x80  }
0xa1: {  	[sflag:s21] =	ssyncset.done $0x0  }
0xa2: {  	[sflag:s21] =	ssyncadd.s32 $0xFFFFFF80  }
0xa3: {  	[spmem:s3] =	stream.indirect.scatter.add.f32 [tilespmem:s26], [sflag:$0x4], $0x80, s31, s23, $0xb8;
	[tilespmem:$0x1CB00] =	vst v63  }
0xa4: {  	_ =	swait.ge [sflag:s21], $0x4000  }
0xa5: {  	[sflag:s21] =	ssyncset.done $0x0  }
0xa6: {  	s13 =	simm.s32 $0x14200;
	s12 =	rddreg [dreg:$0x7];
	[sflag:s21] =	ssyncadd.s32 $0xFFFFC000  }
0xa7: {  	[tilespmem:s13], [sflag:$0x4] =	stream.linear.gather [hbm4b:s12+s4], $0x10, $0x38;
	[tilespmem:$0x1CB00] =	vst v63  }
0xa8: {  	_ =	swait.ge [sflag:s21], $0x10  }
0xa9: {  	[sflag:s21] =	ssyncset.done $0x0  }
0xaa: {  	[sflag:s21] =	ssyncadd.s32 $0xFFFFFFF0  }
0xab: {  	[tilespmem:s6], [sflag:$0x3] =	stream.indirect.gather [hbm4b:s2+s1], $0x80, s13, s1, $0xb8;
	[tilespmem:$0x1CB00] =	vst v63  }
0xac: {  	_ =	swait.ge [sflag:s7], $0x800  }
0xad: {  	[sflag:s7] =	ssyncset.done $0x0  }
0xae: {  	s14 =	rddreg [dreg:$0x8];
	[sflag:s7] =	ssyncadd.s32 $0xFFFFF800  }
0xaf: {  	[tilespmem:s9], [sflag:$0x4] =	stream.linear.gather [hbm4b:s14+s4], $0x10, $0x38;
	[tilespmem:$0x1CB00] =	vst v63  }
0xb0: {  	_ =	swait.ge [sflag:s21], $0x10  }
0xb1: {  	[sflag:s21] =	ssyncset.done $0x0  }
0xb2: {  	[sflag:s21] =	ssyncadd.s32 $0xFFFFFFF0  }
0xb3: {  	[spmem:s3] =	stream.indirect.scatter.add.f32 [tilespmem:s6], [sflag:$0x4], $0x80, s9, s1, $0xb8;
	[tilespmem:$0x1CB00] =	vst v63  }
0xb4: {  	_ =	swait.ge [sflag:s21], $0x800  }
0xb5: {  	[sflag:s21] =	ssyncset.done $0x0  }
0xb6: {  	[sflag:s21] =	ssyncadd.s32 $0xFFFFF800  }
0xb7: {  	[bflag:$0x0] =	sbarrier.arrive $0xFFFF  }
0xb8: {  	s15 =	rddreg [dreg:$0x9]  }
0xb9: {  	[hbm:s15], [sflag:s8] =	dma.local [spmem:s11], $0x2800  }
0xba: {  	_ =	swait.ge [sflag:s21], $0x2800  }
0xbb: {  	s10 =	sadd.s32 $0x1, s10;
	s16 =	rddreg [dreg:$0xa]  }
0xbc: {  	p0 =	sne.s32 s10, s16  }
.Ltmp1:
0xbd: {  	_ = 	snop;
	(pc) =	sbr.rel @p0 .LBB2_1-.Ltmp1, $3  }
0xbe: {  	_ =	sdelay $0x1  }
0xbf: {  	[sflag:s21] =	ssyncset.done $0x0  }
0xc0: {  	[sflag:s21] =	ssyncadd.s32 $0xFFFFD800  }
0xc1: {  	_ =	sfence.sel $0x180000  }
0xc2: {  	[bflag:$0x0] =	sbarrier.arrive $0xFFFF  }
0xc3: {  	_ =	strace $0x9000004A  }
0xc4: {  	s0 =	stileid.u32;
	[bflag:$0x2] =	sbarrier.arrive $0xFFFF  }
0xc5: {  	p0 =	sne.s32 s0, $0x0;
	s0 =	rddreg [dreg:$0x3]  }
0xc6: {  	s0 =	sadd.s32 @!p0 $0x100000, s0  }
0xc7: {  	[sflag:s0] =	ssyncadd.tile.s32 @!p0 $0x1;
	_ =	shalt  }
.Lfunc_end2:
_tile_overlayer_lowered:
.L_overlay_start_2:
0xc8: {  	(tag) =	ssettag $0x2  }
0xc9: {  	s0 =	rddreg [dreg:$0x0];
	s2 =	stileid.u32  }
0xca: {  	s1 =	rddreg [dreg:$0x1];
	p0 =	sne.s32 s2, $0x0  }
0xcb: {  	s3 =	rddreg [dreg:$0x2];
	[bflag:$0x3] =	sbarrier.arrive $0xFFFF;
	s2 =	simm.s32 @!p0 $0x1C04  }
0xcc: {  	[timem:s3], [sflag:s2] =	dma.local @!p0 [hbm:s0], s1  }
0xcd: {  	s0 =	simm.s32 @!p0 $0x4  }
0xce: {  	_ =	swait.ge @!p0 [sflag:s0], s1  }
0xcf: {  	s1 =	ssub.s32 @!p0 $0x0, s1;
	[sflag:s0] =	ssyncset.done @!p0 $0x0  }
0xd0: {  	[sflag:s0] =	ssyncadd.s32 @!p0 s1  }
0xd1: {  	[bflag:$0x3] =	sbarrier.arrive $0xFFFF  }
0xd2: {  	_ =	shalt  }

// kernel: kernel.14.cloned.1.call-start
scs
__scs_entry_jumppad:
0x0: {  	(pc) =	sbr.rel $0x88, $3  }
0x1: {  	(tag) =	ssettag $0x0;
	lr =	simm.s32 $0x1  }
0x2: {  	[smem:$0x3F98] =	sst lr;
	_ =	strace $0xD0000000  }
0x3: {  	_ = 	snop  }
0x4: {  	_ = 	snop  }
0x5: {  	_ = 	snop  }
0x6: {  	_ = 	snop  }
0x7: {  	_ = 	snop  }
__scs_overlays_trampoline_lowered:
0x8: {  	[smem:$0x3FA7] =	sst s0  }
0x9: {  	[smem:$0x3FA8] =	sst s1  }
0xa: {  	[smem:$0x3FA9] =	sst s2  }
0xb: {  	[smem:$0x3FAA] =	sst s3  }
0xc: {  	[smem:$0x3FAB] =	sst s4  }
0xd: {  	[smem:$0x3FAC] =	sst s5  }
0xe: {  	[smem:$0x3FAD] =	sst s6  }
0xf: {  	[smem:$0x3FAE] =	sst s7  }
0x10: {  	[smem:$0x3FAF] =	sst s8  }
0x11: {  	[smem:$0x3FB0] =	sst s9;
	s0 =	simm.s32 @!p0 $0x0  }
0x12: {  	s1 =	sld [smem:$0x3F96];
	s0 =	simm.s32 @p0 $0x1  }
0x13: {  	[smem:$0x3FB1] =	sst s0;
	s0 =	simm.s32 @!p1 $0x0  }
0x14: {  	s2 =	sld [smem:$0x3F95];
	s0 =	simm.s32 @p1 $0x1  }
0x15: {  	[smem:$0x3FB2] =	sst s0;
	s0 =	simm.s32 @!p2 $0x0  }
0x16: {  	s3 =	sld [smem:$0x3FDB];
	s0 =	simm.s32 @p2 $0x1  }
0x17: {  	s4 =	simm.s32 $0x1BF5;
	[smem:$0x3FB4] =	sst s0  }
0x18: {  	s0 =	sld [smem:$0x3F97];
	_ =	swait.ge [sflag:s4], $0x0  }
0x19: {  	s7 =	sld [smem:$0x3F98]  }
0x1a: {  	s8 =	sadd.s32 $0xFFFFE003, lr  }
0x1b: {  	s9 =	sadd.s32 $0xFFFFFEF7, lr;
	s5 =	simm.s32 $0xFFFFFFFF;
	p2 =	slt.u32 s8, $0xFFFFF086  }
0x1c: {  	p1 =	slt.u32 s9, $0xF7A;
	s5 =	simm.s32 @!p2 $0x0  }
0x1d: {  	s5 =	simm.s32 @p1 $0x1;
	p0 =	seq.s32 s7, s2  }
0x1e: {  	s7 =	smul.u32 @!p0 $0xF7A, s2;
	p2 =	seq.s32 @!p0 s5, $0x0  }
0x1f: {  	s9 =	smul.u32 $0xF7A, s1;
	s8 =	simm.s32 @!p0 $0x1BF5;
	p2 =	por !p2, p0  }
0x20: {  	[sflag:s8] =	ssyncset.s32 @!p0 $0xFFFFF086;
	s6 =	sadd.s32 @!p0 s3, s7;
	s7 =	simm.s32 @!p0 $0x108  }
0x21: {  	s3 =	sadd.s32 s3, s9;
	s6 =	sadd.s32 @!p0 $0x88, s6;
	s7 =	simm.s32 @p2 $0x1082  }
0x22: {  	[simem:s7], [sflag:s8] =	dma.local @!p0 [hbm:s6], $0xF7A  }
0x23: {  	s9 =	sor.u32 $0xD0000000, s2;
	s6 =	simm.s32 $0x108;
	_ =	swait.ge @!p0 [sflag:s8], $0x0  }
0x24: {  	s3 =	sadd.s32 $0x88, s3;
	s6 =	simm.s32 @!p1 $0x1082;
	[sflag:s4] =	ssyncset.s32 $0xFFFFF086  }
0x25: {  	[simem:s6], [sflag:s4] =	dma.local [hbm:s3], $0xF7A  }
0x26: {  	[smem:$0x3F98] =	sst s1;
	(tag) =	ssettag s2;
	_ =	strace s9  }
0x27: {  	s1 =	sld [smem:$0x3FA8]  }
0x28: {  	s2 =	sld [smem:$0x3FA9]  }
0x29: {  	s4 =	sld [smem:$0x3FAB]  }
0x2a: {  	p0 =	seq.s32 s5, $0x0;
	s5 =	sld [smem:$0x3FAC]  }
0x2b: {  	s6 =	sld [smem:$0x3FAD]  }
0x2c: {  	s7 =	sld [smem:$0x3FAE]  }
0x2d: {  	s3 =	simm.s32 $0x108;
	s8 =	sld [smem:$0x3FAF]  }
0x2e: {  	s3 =	simm.s32 @!p0 $0x1082;
	s9 =	sld [smem:$0x3FB0]  }
0x2f: {  	lr =	sadd.s32 s0, s3;
	s0 =	sld [smem:$0x3FA7]  }
0x30: {  	s3 =	sld [smem:$0x3FAA]  }
0x31: {  	[smem:$0x3FB3] =	sst s10  }
0x32: {  	s10 =	sld [smem:$0x3FB1];
	_ =	sdelay $0x3  }
0x33: {  	p0 =	seq.s32 s10, $0x1;
	s10 =	sld [smem:$0x3FB3];
	_ =	sdelay $0x3  }
0x34: {  	[smem:$0x3FB3] =	sst s10  }
0x35: {  	s10 =	sld [smem:$0x3FB2];
	_ =	sdelay $0x3  }
0x36: {  	p1 =	seq.s32 s10, $0x1;
	s10 =	sld [smem:$0x3FB3];
	_ =	sdelay $0x3  }
0x37: {  	[smem:$0x3FB3] =	sst s10  }
0x38: {  	s10 =	sld [smem:$0x3FB4]  }
0x39: {  	_ = 	snop;
	(pc) =	sbr.ind lr, $3  }
0x3a: {  	_ = 	snop  }
0x3b: {  	_ = 	snop  }
0x3c: {  	p2 =	seq.s32 s10, $0x1;
	s10 =	sld [smem:$0x3FB3]  }
0x3d: {  	_ =	shalt  }
0x3e: {  	_ =	shalt  }
0x3f: {  	_ =	shalt  }
0x40: {  	_ =	shalt  }
0x41: {  	_ =	shalt  }
0x42: {  	_ =	shalt  }
0x43: {  	_ =	shalt  }
0x44: {  	_ =	shalt  }
0x45: {  	_ =	shalt  }
0x46: {  	_ =	shalt  }
0x47: {  	_ =	shalt  }
0x48: {  	_ =	shalt  }
0x49: {  	_ =	shalt  }
0x4a: {  	_ =	shalt  }
0x4b: {  	_ =	shalt  }
0x4c: {  	_ =	shalt  }
0x4d: {  	_ =	shalt  }
0x4e: {  	_ =	shalt  }
0x4f: {  	_ =	shalt  }
0x50: {  	_ =	shalt  }
0x51: {  	_ =	shalt  }
0x52: {  	_ =	shalt  }
0x53: {  	_ =	shalt  }
0x54: {  	_ =	shalt  }
0x55: {  	_ =	shalt  }
0x56: {  	_ =	shalt  }
0x57: {  	_ =	shalt  }
0x58: {  	_ =	shalt  }
0x59: {  	_ =	shalt  }
0x5a: {  	_ =	shalt  }
0x5b: {  	_ =	shalt  }
0x5c: {  	_ =	shalt  }
0x5d: {  	_ =	shalt  }
0x5e: {  	_ =	shalt  }
0x5f: {  	_ =	shalt  }
0x60: {  	_ =	shalt  }
0x61: {  	_ =	shalt  }
0x62: {  	_ =	shalt  }
0x63: {  	_ =	shalt  }
0x64: {  	_ =	shalt  }
0x65: {  	_ =	shalt  }
0x66: {  	_ =	shalt  }
0x67: {  	_ =	shalt  }
0x68: {  	_ =	shalt  }
0x69: {  	_ =	shalt  }
0x6a: {  	_ =	shalt  }
0x6b: {  	_ =	shalt  }
0x6c: {  	_ =	shalt  }
0x6d: {  	_ =	shalt  }
0x6e: {  	_ =	shalt  }
0x6f: {  	_ =	shalt  }
0x70: {  	_ =	shalt  }
0x71: {  	_ =	shalt  }
0x72: {  	_ =	shalt  }
0x73: {  	_ =	shalt  }
0x74: {  	_ =	shalt  }
0x75: {  	_ =	shalt  }
0x76: {  	_ =	shalt  }
0x77: {  	_ =	shalt  }
0x78: {  	_ =	shalt  }
0x79: {  	_ =	shalt  }
0x7a: {  	_ =	shalt  }
0x7b: {  	_ =	shalt  }
0x7c: {  	_ =	shalt  }
0x7d: {  	_ =	shalt  }
0x7e: {  	_ =	shalt  }
0x7f: {  	_ =	shalt  }
0x80: {  	_ =	shalt  }
0x81: {  	_ =	shalt  }
0x82: {  	_ =	shalt  }
0x83: {  	_ =	shalt  }
0x84: {  	_ =	shalt  }
0x85: {  	_ =	shalt  }
0x86: {  	_ =	shalt  }
0x87: {  	_ =	shalt  }
.Lfunc_end0:
.L_simem_size_0:
called_computation.2_lowered:
.L_overlay_start_0:
0x88: {  	s2 =	sld [smem:$0x3FD9]  }
0x89: {  	s3 =	sld [smem:$0x3FFE];
	_ =	sdelay $0x1  }
0x8a: {  	s1 =	srdreg.scid  }
0x8b: {  	s0 =	sand.u32 $0x1, s1  }
0x8c: {  	s17 =	sshll.u32 s0, $0xA;
	s2 =	sadd.s32 s3, s2  }
0x8d: {  	s2 =	sadd.s32 s2, s17  }
0x8e: {  	[smem:$0x3FBF] =	sst s2  }
0x8f: {  	_ = 	snop  }
0x90: {  	s2 =	sld [smem:$0x3FD0];
	(tm) =	ssettm $0x1  }
0x91: {  	s18 =	sld [smem:$0x3FFB];
	_ =	sdelay $0x3  }
0x92: {  	_ =	strace s18  }
0x93: {  	s3 =	sld [smem:$0x3FFC];
	_ =	sdelay $0x3  }
0x94: {  	_ =	strace s3  }
0x95: {  	s3 =	sld [smem:$0x3FFD];
	_ =	sdelay $0x3  }
0x96: {  	_ =	strace s3  }
0x97: {  	_ =	strace $0x8FFFFFFF  }
0x98: {  	s19 =	sld [smem:$0x3FDB];
	_ =	sdelay $0x1  }
0x99: {  	s4 =	simm.s32 $_scs_section_size  }
0x9a: {  	s5 =	simm.s32 $_size__tile_overlayer_lowered;
	s6 =	simm.s32 $_tile_overlayer_lowered  }
0x9b: {  	s22 =	simm.s32 $0x1BFF;
	s21 =	sshll.u32 s6, $0x1;
	s3 =	sadd.s32 s4, s19  }
0x9c: {  	s7 =	simm.s32 $0x0;
	s20 =	sshll.u32 s5, $0x1;
	s5 =	sadd.s32 s21, s3  }
0x9d: {  	[timem:s7], [sflag:s22] =	dma.local [hbm:s5], s20  }
0x9e: {  	_ =	swait.ge [sflag:s22], s20  }
0x9f: {  	s4 =	ssub.s32 $0x0, s20;
	[sflag:s22] =	ssyncset.done $0x0  }
0xa0: {  	[sflag:s22] =	ssyncadd.s32 s4;
	_ =	sdelay $0x1  }
0xa1: {  	s23 =	simm.s32 $0x1B8B  }
0xa2: {  	_ =	swait.ge [sflag:s23], $0x1  }
0xa3: {  	[sflag:s23] =	ssyncset.done $0x0  }
0xa4: {  	s25 =	simm.s32 $0x1B8E;
	s24 =	sld [smem:$0x3FFE];
	[sflag:s23] =	ssyncadd.s32 $0xFFFFFFFF  }
0xa5: {  	s26 =	simm.s32 $execute0_lowered;
	[smem:$0x3FD2] =	sst s25  }
0xa6: {  	s5 =	sshll.u32 s26, $0x1;
	_ =	strace $0x8000004C;
	[dreg:$0x1] =	wrdreg $0xFFFFFFFF  }
0xa7: {  	s28 =	simm.s32 $_size_execute0_lowered;
	s3 =	sadd.s32 s3, s5;
	[dreg:$0x0] =	wrdreg $0x0  }
0xa8: {  	s5 =	sshll.u32 s28, $0x1;
	[dreg:$0x2] =	wrdreg s3  }
0xa9: {  	[dreg:$0x3] =	wrdreg s5  }
0xaa: {  	[dreg:$0x4] =	wrdreg $0xC0  }
0xab: {  	_ =	task [dreg:s7], $0x5FFFF  }
0xac: {  	[dreg:$0x1] =	wrdreg $0xFFFFFFFF  }
0xad: {  	[dreg:$0x0] =	wrdreg $0x60  }
0xae: {  	[dreg:$0x2] =	wrdreg s24  }
0xaf: {  	[dreg:$0x3] =	wrdreg s2  }
0xb0: {  	[dreg:$0x4] =	wrdreg $0x0  }
0xb1: {  	[dreg:$0x5] =	wrdreg $0x9  }
0xb2: {  	_ =	task.clear_ibuf [dreg:s7], $0x6FFFF;
	_ =	strace $0x9000004C  }
0xb3: {  	s29 =	simm.s32 $0x9;
	_ =	strace $0x8000004E  }
0xb4: {  	_ =	swait.ge [sflag:s29], $0x1  }
0xb5: {  	[sflag:s29] =	ssyncadd.s32 $0xFFFFFFFF  }
0xb6: {  	_ =	strace $0x9000004E  }
0xb7: {  	_ =	sfence  }
0xb8: {  	s30 =	sld [smem:$0x0];
	_ =	sdelay $0x2  }
0xb9: {  	s31 =	sshll.u32 s1, $0xD;
	s1 =	sshrl.u32 s1, $0x2  }
0xba: {  	s3 =	sand.u32 $0x4000, s31;
	s1 =	sadd.s32 s1, s30  }
0xbb: {  	s0 =	sor.u32 s3, s0;
	s1 =	sshll.u32 s1, $0x11  }
0xbc: {  	s0 =	sor.u32 s1, s0  }
0xbd: {  	s0 =	sadd.s32 $0x8F2B, s0  }
0xbe: {  	[sflag:s0] =	ssyncadd.remote.s32 $0x1  }
0xbf: {  	_ =	sfence.sel $0xFFFF  }
0xc0: {  	[dreg:$0x0] =	wrdreg $0xFFFFFFFF;
	(pc) =	sbr.abs _section_cstart, $3  }
0xc1: {  	[dreg:$0x1] =	wrdreg $0xFFFFFFFF  }
0xc2: {  	_ =	task.clear_ibuf [dreg:s7], $0x2FFFF;
	_ =	strace $0x9FFFFFFF  }
0xc3: {  	(tm) =	ssettm $0x7FFFFFFF  }
tec
execute0_lowered:
.L_overlay_start_1:
0x0: {  	(tag) =	ssettag $0x1  }
0x1: {  	s0 =	rddreg [dreg:$0x0]  }
0x2: {  	s2 =	rddreg [dreg:$0x1]  }
0x3: {  	s3 =	rddreg [dreg:$0x2]  }
0x4: {  	s12 =	stileid.u32;
	s1 =	srdreg.scid  }
0x5: {  	s4 =	simm.s32 $0x0;
	s28 =	simm.s32 $0x1;
	s29 =	simm.s32 $0x14100  }
0x6: {  	s30 =	simm.s32 $0x2;
	s31 =	simm.s32 $0x14180;
	s6 =	smul.u32 $0x14000, s12  }
0x7: {  	s1 =	sand.u32 $0x1, s1;
	[smem:$0x7FF] =	sst s4;
	s11 =	smul.u32 $0x50000, s12  }
0x8: {  	s5 =	sadd.s32 $0xCE00, s0;
	s16 =	sshll.u32 s12, $0x6;
	s19 =	smul.u32 $0x2710, s12  }
0x9: {  	s7 =	smul.u32 $0x140000, s1;
	_ =	strace $0x8000004D;
	s9 =	ssub.s32 $0x2, s1  }
0xa: {  	s10 =	sshll.u32 s1, $0x4;
	s1 =	smul.u32 $0x27100, s1;
	s8 =	sshrl.u32 s6, $0x3  }
0xb: {  	s13 =	sshrl.u32 s9, $0x1;
	s10 =	sor.u32 s12, s10;
	s15 =	sshrl.u32 s11, $0x2  }
0xc: {  	s6 =	sadd.s32 s6, s7;
	s7 =	sadd.s32 $0x3000, s0;
	s8 =	sadd.s32 s8, s0  }
0xd: {  	s14 =	smul.u32 $0x2710, s10;
	s10 =	sadd.s32 s15, s3;
	s1 =	sadd.s32 s19, s1  }
0xe: {  	s6 =	sshrl.u32 s6, $0x3;
	[dreg:$0x4] =	wrdreg s10;
	s8 =	sadd.s32 $0x17C00, s8  }
0xf: {  	s25 =	sadd.s32 $0x80, s1;
	s26 =	sshrl.u32 s1, $0x3;
	s0 =	sadd.s32 s6, s0  }
0x10: {  	s6 =	ssub.s32 s9, s13;
	[dreg:$0x5] =	wrdreg s8;
	s9 =	sshrl.u32 s14, $0x3  }
0x11: {  	s8 =	sor.u32 $0x1C04, s16;
	s17 =	sadd.s32 s5, s9;
	s18 =	sadd.s32 $0x4E0, s9  }
0x12: {  	s0 =	sadd.s32 $0x66E00, s0;
	s21 =	smax.u32 s6, $0x1;
	s22 =	sadd.s32 $0x4D0, s9  }
0x13: {  	s24 =	sadd.s32 s7, s9;
	s9 =	sshrl.u32 s25, $0x3;
	[dreg:$0x6] =	wrdreg s17  }
0x14: {  	s25 =	simm.s32 $0x14080;
	s20 =	sadd.s32 s5, s18;
	[dreg:$0x9] =	wrdreg s0  }
0x15: {  	s10 =	sadd.s32 s7, s18;
	[dreg:$0xa] =	wrdreg s21;
	s23 =	sadd.s32 s5, s22  }
0x16: {  	s6 =	sadd.s32 $0x4C0, s24;
	s0 =	sadd.s32 s7, s22;
	s17 =	sadd.s32 s26, s7  }
0x17: {  	s18 =	sadd.s32 s9, s7;
	s19 =	sadd.s32 s9, s5;
	[dreg:$0x7] =	wrdreg s20  }
0x18: {  	s21 =	simm.s32 $0x4;
	s22 =	simm.s32 $0x14000;
	[dreg:$0x8] =	wrdreg s10  }
0x19: {  	s24 =	simm.s32 $0x14300;
	s26 =	simm.s32 $0x18300;
	[dreg:$0xb] =	wrdreg s23  }
0x1a: {  	s7 =	simm.s32 $0x3;
	s9 =	simm.s32 $0x14280;
	[dreg:$0xc] =	wrdreg s6  }
0x1b: {  	[dreg:$0xd] =	wrdreg s0;
	s20 =	sadd.s32 $0x100, s1;
	s23 =	simm.s32 $0x80  }
0x1c: {  	s1 =	simm.s32 $0x10;
	s6 =	simm.s32 $0x1C300;
	s10 =	simm.s32 $0x0  }
.LBB2_1:
0x1d: {  	s0 =	rddreg [dreg:$0x4]  }
0x1e: {  	s12 =	rddreg [dreg:$0x5];
	s11 =	sshrl.u32 s0, $0x3  }
0x1f: {  	[spmem:s11], [sflag:s8] =	dma.local [hbm:s12], $0x2800  }
0x20: {  	_ =	swait.ge [sflag:s21], $0x2800  }
0x21: {  	[sflag:s21] =	ssyncset.done $0x0  }
0x22: {  	[sflag:s21] =	ssyncadd.s32 $0xFFFFD800  }
0x23: {  	[bflag:$0x0] =	sbarrier.arrive $0xFFFF  }
0x24: {  	s13 =	rddreg [dreg:$0x6]  }
0x25: {  	[tilespmem:s22], [sflag:$0x4] =	stream.linear.gather [hbm4b:s13+s4], $0x80, $0x38;
	[tilespmem:$0x1CB00] =	vst v63  }
0x26: {  	_ =	swait.ge [sflag:s21], $0x80  }
0x27: {  	[sflag:s21] =	ssyncset.done $0x0  }
0x28: {  	[sflag:s21] =	ssyncadd.s32 $0xFFFFFF80  }
0x29: {  	[tilespmem:s24], [sflag:$0x1] =	stream.indirect.gather [hbm4b:s2+s23], $0x80, s22, s23, $0xb8;
	[tilespmem:$0x1CB00] =	vst v63  }
0x2a: {  	s12 =	sadd.s32 $0x0, s19  }
0x2b: {  	[tilespmem:s25], [sflag:$0x4] =	stream.linear.gather [hbm4b:s12+s4], $0x80, $0x38;
	[tilespmem:$0x1CB00] =	vst v63  }
0x2c: {  	_ =	swait.ge [sflag:s21], $0x80  }
0x2d: {  	[sflag:s21] =	ssyncset.done $0x0  }
0x2e: {  	[sflag:s21] =	ssyncadd.s32 $0xFFFFFF80  }
0x2f: {  	[tilespmem:s26], [sflag:$0x2] =	stream.indirect.gather [hbm4b:s2+s23], $0x80, s25, s23, $0xb8;
	[tilespmem:$0x1CB00] =	vst v63  }
0x30: {  	_ =	swait.ge [sflag:s28], $0x4000  }
0x31: {  	[sflag:s28] =	ssyncset.done $0x0  }
0x32: {  	s14 =	sadd.s32 $0x0, s17;
	[sflag:s28] =	ssyncadd.s32 $0xFFFFC000  }
0x33: {  	[tilespmem:s29], [sflag:$0x4] =	stream.linear.gather [hbm4b:s14+s4], $0x80, $0x38;
	[tilespmem:$0x1CB00] =	vst v63  }
0x34: {  	_ =	swait.ge [sflag:s21], $0x80  }
0x35: {  	[sflag:s21] =	ssyncset.done $0x0  }
0x36: {  	[sflag:s21] =	ssyncadd.s32 $0xFFFFFF80  }
0x37: {  	[spmem:s3] =	stream.indirect.scatter.add.f32 [tilespmem:s24], [sflag:$0x4], $0x80, s29, s23, $0xb8;
	[tilespmem:$0x1CB00] =	vst v63  }
0x38: {  	_ =	swait.ge [sflag:s21], $0x4000  }
0x39: {  	s15 =	sshrl.u32 s20, $0x3;
	[sflag:s21] =	ssyncset.done $0x0  }
0x3a: {  	s12 =	sadd.s32 s5, s15;
	[sflag:s21] =	ssyncadd.s32 $0xFFFFC000  }
0x3b: {  	[tilespmem:s22], [sflag:$0x4] =	stream.linear.gather [hbm4b:s12+s4], $0x80, $0x38;
	[tilespmem:$0x1CB00] =	vst v63  }
0x3c: {  	_ =	swait.ge [sflag:s21], $0x80  }
0x3d: {  	[sflag:s21] =	ssyncset.done $0x0  }
0x3e: {  	[sflag:s21] =	ssyncadd.s32 $0xFFFFFF80  }
0x3f: {  	[tilespmem:s24], [sflag:$0x1] =	stream.indirect.gather [hbm4b:s2+s23], $0x80, s22, s23, $0xb8;
	[tilespmem:$0x1CB00] =	vst v63  }
0x40: {  	_ =	swait.ge [sflag:s30], $0x4000  }
0x41: {  	[sflag:s30] =	ssyncset.done $0x0  }
0x42: {  	s16 =	sadd.s32 $0x0, s18;
	[sflag:s30] =	ssyncadd.s32 $0xFFFFC000  }
0x43: {  	[tilespmem:s31], [sflag:$0x4] =	stream.linear.gather [hbm4b:s16+s4], $0x80, $0x38;
	[tilespmem:$0x1CB00] =	vst v63  }
0x44: {  	_ =	swait.ge [sflag:s21], $0x80  }
0x45: {  	[sflag:s21] =	ssyncset.done $0x0  }
0x46: {  	[sflag:s21] =	ssyncadd.s32 $0xFFFFFF80  }
0x47: {  	[spmem:s3] =	stream.indirect.scatter.add.f32 [tilespmem:s26], [sflag:$0x4], $0x80, s31, s23, $0xb8;
	[tilespmem:$0x1CB00] =	vst v63  }
0x48: {  	s13 =	sadd.s32 $0x100, s20;
	_ =	swait.ge [sflag:s21], $0x4000  }
0x49: {  	s14 =	simm.s32 $0x40;
	s12 =	simm.s32 $0x20;
	[sflag:s21] =	ssyncset.done $0x0  }
.LBB2_2:
0x4a: {  	s16 =	sadd.s32 s12, s19  }
0x4b: {  	[sflag:s21] =	ssyncadd.s32 $0xFFFFC000;
	s0 =	smov.u32 s14;
	s15 =	sadd.s32 $0x20, s14  }
0x4c: {  	[tilespmem:s25], [sflag:$0x4] =	stream.linear.gather [hbm4b:s16+s4], $0x80, $0x38;
	[tilespmem:$0x1CB00] =	vst v63  }
0x4d: {  	p0 =	sne.s32 s14, $0x4A0;
	_ =	swait.ge [sflag:s21], $0x80  }
0x4e: {  	[sflag:s21] =	ssyncset.done $0x0  }
0x4f: {  	[sflag:s21] =	ssyncadd.s32 $0xFFFFFF80  }
0x50: {  	[tilespmem:s26], [sflag:$0x2] =	stream.indirect.gather [hbm4b:s2+s23], $0x80, s25, s23, $0xb8;
	[tilespmem:$0x1CB00] =	vst v63  }
0x51: {  	_ =	swait.ge [sflag:s28], $0x4000  }
0x52: {  	[sflag:s28] =	ssyncset.done $0x0  }
0x53: {  	s14 =	sadd.s32 s12, s17;
	[sflag:s28] =	ssyncadd.s32 $0xFFFFC000  }
0x54: {  	[tilespmem:s29], [sflag:$0x4] =	stream.linear.gather [hbm4b:s14+s4], $0x80, $0x38;
	[tilespmem:$0x1CB00] =	vst v63  }
0x55: {  	_ =	swait.ge [sflag:s21], $0x80  }
0x56: {  	[sflag:s21] =	ssyncset.done $0x0  }
0x57: {  	[sflag:s21] =	ssyncadd.s32 $0xFFFFFF80  }
0x58: {  	[spmem:s3] =	stream.indirect.scatter.add.f32 [tilespmem:s24], [sflag:$0x4], $0x80, s29, s23, $0xb8;
	[tilespmem:$0x1CB00] =	vst v63  }
0x59: {  	_ =	swait.ge [sflag:s21], $0x4000  }
0x5a: {  	s14 =	sshrl.u32 s13, $0x3;
	[sflag:s21] =	ssyncset.done $0x0  }
0x5b: {  	s14 =	sadd.s32 s5, s14;
	[sflag:s21] =	ssyncadd.s32 $0xFFFFC000  }
0x5c: {  	[tilespmem:s22], [sflag:$0x4] =	stream.linear.gather [hbm4b:s14+s4], $0x80, $0x38;
	[tilespmem:$0x1CB00] =	vst v63  }
0x5d: {  	_ =	swait.ge [sflag:s21], $0x80  }
0x5e: {  	[sflag:s21] =	ssyncset.done $0x0  }
0x5f: {  	[sflag:s21] =	ssyncadd.s32 $0xFFFFFF80  }
0x60: {  	[tilespmem:s24], [sflag:$0x1] =	stream.indirect.gather [hbm4b:s2+s23], $0x80, s22, s23, $0xb8;
	[tilespmem:$0x1CB00] =	vst v63  }
0x61: {  	_ =	swait.ge [sflag:s30], $0x4000  }
0x62: {  	[sflag:s30] =	ssyncset.done $0x0  }
0x63: {  	s14 =	sadd.s32 s12, s18;
	s12 =	smov.u32 s0;
	[sflag:s30] =	ssyncadd.s32 $0xFFFFC000  }
0x64: {  	[tilespmem:s31], [sflag:$0x4] =	stream.linear.gather [hbm4b:s14+s4], $0x80, $0x38;
	[tilespmem:$0x1CB00] =	vst v63  }
0x65: {  	_ =	swait.ge [sflag:s21], $0x80  }
.Ltmp0:
0x66: {  	[sflag:s21] =	ssyncset.done $0x0;
	(pc) =	sbr.rel @p0 .LBB2_2-.Ltmp0, $4  }
0x67: {  	[sflag:s21] =	ssyncadd.s32 $0xFFFFFF80  }
0x68: {  	[spmem:s3] =	stream.indirect.scatter.add.f32 [tilespmem:s26], [sflag:$0x4], $0x80, s31, s23, $0xb8;
	[tilespmem:$0x1CB00] =	vst v63  }
0x69: {  	_ =	swait.ge [sflag:s21], $0x4000  }
0x6a: {  	s13 =	sadd.s32 $0x100, s13;
	s14 =	smov.u32 s15;
	[sflag:s21] =	ssyncset.done $0x0  }
0x6b: {  	s0 =	sadd.s32 s12, s19;
	[sflag:s21] =	ssyncadd.s32 $0xFFFFC000  }
0x6c: {  	[tilespmem:s25], [sflag:$0x4] =	stream.linear.gather [hbm4b:s0+s4], $0x80, $0x38;
	[tilespmem:$0x1CB00] =	vst v63  }
0x6d: {  	_ =	swait.ge [sflag:s21], $0x80  }
0x6e: {  	[sflag:s21] =	ssyncset.done $0x0  }
0x6f: {  	[sflag:s21] =	ssyncadd.s32 $0xFFFFFF80  }
0x70: {  	[tilespmem:s26], [sflag:$0x2] =	stream.indirect.gather [hbm4b:s2+s23], $0x80, s25, s23, $0xb8;
	[tilespmem:$0x1CB00] =	vst v63  }
0x71: {  	_ =	swait.ge [sflag:s28], $0x4000  }
0x72: {  	[sflag:s28] =	ssyncset.done $0x0  }
0x73: {  	s15 =	sadd.s32 s12, s17;
	[sflag:s28] =	ssyncadd.s32 $0xFFFFC000  }
0x74: {  	[tilespmem:s29], [sflag:$0x4] =	stream.linear.gather [hbm4b:s15+s4], $0x80, $0x38;
	[tilespmem:$0x1CB00] =	vst v63  }
0x75: {  	_ =	swait.ge [sflag:s21], $0x80  }
0x76: {  	[sflag:s21] =	ssyncset.done $0x0  }
0x77: {  	[sflag:s21] =	ssyncadd.s32 $0xFFFFFF80  }
0x78: {  	[spmem:s3] =	stream.indirect.scatter.add.f32 [tilespmem:s24], [sflag:$0x4], $0x80, s29, s23, $0xb8;
	[tilespmem:$0x1CB00] =	vst v63  }
0x79: {  	_ =	swait.ge [sflag:s21], $0x4000  }
0x7a: {  	s16 =	sshrl.u32 s13, $0x3;
	[sflag:s21] =	ssyncset.done $0x0  }
0x7b: {  	s0 =	sadd.s32 s5, s16;
	[sflag:s21] =	ssyncadd.s32 $0xFFFFC000  }
0x7c: {  	[tilespmem:s22], [sflag:$0x4] =	stream.linear.gather [hbm4b:s0+s4], $0x80, $0x38;
	[tilespmem:$0x1CB00] =	vst v63  }
0x7d: {  	_ =	swait.ge [sflag:s21], $0x80  }
0x7e: {  	[sflag:s21] =	ssyncset.done $0x0  }
0x7f: {  	[sflag:s21] =	ssyncadd.s32 $0xFFFFFF80  }
0x80: {  	[tilespmem:s24], [sflag:$0x1] =	stream.indirect.gather [hbm4b:s2+s23], $0x80, s22, s23, $0xb8;
	[tilespmem:$0x1CB00] =	vst v63  }
0x81: {  	_ =	swait.ge [sflag:s30], $0x4000  }
0x82: {  	[sflag:s30] =	ssyncset.done $0x0  }
0x83: {  	s13 =	sadd.s32 s12, s18;
	[sflag:s30] =	ssyncadd.s32 $0xFFFFC000  }
0x84: {  	[tilespmem:s31], [sflag:$0x4] =	stream.linear.gather [hbm4b:s13+s4], $0x80, $0x38;
	[tilespmem:$0x1CB00] =	vst v63  }
0x85: {  	_ =	swait.ge [sflag:s21], $0x80  }
0x86: {  	[sflag:s21] =	ssyncset.done $0x0  }
0x87: {  	[sflag:s21] =	ssyncadd.s32 $0xFFFFFF80  }
0x88: {  	[spmem:s3] =	stream.indirect.scatter.add.f32 [tilespmem:s26], [sflag:$0x4], $0x80, s31, s23, $0xb8;
	[tilespmem:$0x1CB00] =	vst v63  }
0x89: {  	_ =	swait.ge [sflag:s21], $0x4000  }
0x8a: {  	[sflag:s21] =	ssyncset.done $0x0  }
0x8b: {  	s14 =	rddreg [dreg:$0xb];
	[sflag:s21] =	ssyncadd.s32 $0xFFFFC000  }
0x8c: {  	[tilespmem:s25], [sflag:$0x4] =	stream.linear.gather [hbm4b:s14+s4], $0x80, $0x38;
	[tilespmem:$0x1CB00] =	vst v63  }
0x8d: {  	_ =	swait.ge [sflag:s21], $0x80  }
0x8e: {  	[sflag:s21] =	ssyncset.done $0x0  }
0x8f: {  	[sflag:s21] =	ssyncadd.s32 $0xFFFFFF80  }
0x90: {  	[tilespmem:s26], [sflag:$0x2] =	stream.indirect.gather [hbm4b:s2+s23], $0x80, s25, s23, $0xb8;
	[tilespmem:$0x1CB00] =	vst v63  }
0x91: {  	_ =	swait.ge [sflag:s28], $0x4000  }
0x92: {  	[sflag:s28] =	ssyncset.done $0x0  }
0x93: {  	s15 =	rddreg [dreg:$0xc];
	[sflag:s28] =	ssyncadd.s32 $0xFFFFC000  }
0x94: {  	[tilespmem:s29], [sflag:$0x4] =	stream.linear.gather [hbm4b:s15+s4], $0x80, $0x38;
	[tilespmem:$0x1CB00] =	vst v63  }
0x95: {  	_ =	swait.ge [sflag:s21], $0x80  }
0x96: {  	[sflag:s21] =	ssyncset.done $0x0  }
0x97: {  	[sflag:s21] =	ssyncadd.s32 $0xFFFFFF80  }
0x98: {  	[spmem:s3] =	stream.indirect.scatter.add.f32 [tilespmem:s24], [sflag:$0x4], $0x80, s29, s23, $0xb8;
	[tilespmem:$0x1CB00] =	vst v63  }
0x99: {  	_ =	swait.ge [sflag:s21], $0x4000  }
0x9a: {  	[sflag:s21] =	ssyncset.done $0x0  }
0x9b: {  	[sflag:s21] =	ssyncadd.s32 $0xFFFFC000  }
0x9c: {  	_ =	swait.ge [sflag:s30], $0x4000  }
0x9d: {  	[sflag:s30] =	ssyncset.done $0x0  }
0x9e: {  	s16 =	rddreg [dreg:$0xd];
	[sflag:s30] =	ssyncadd.s32 $0xFFFFC000  }
0x9f: {  	[tilespmem:s31], [sflag:$0x4] =	stream.linear.gather [hbm4b:s16+s4], $0x80, $0x38;
	[tilespmem:$0x1CB00] =	vst v63  }
0xa0: {  	_ =	swait.ge [sflag:s21], $0x80  }
0xa1: {  	[sflag:s21] =	ssyncset.done $0x0  }
0xa2: {  	[sflag:s21] =	ssyncadd.s32 $0xFFFFFF80  }
0xa3: {  	[spmem:s3] =	stream.indirect.scatter.add.f32 [tilespmem:s26], [sflag:$0x4], $0x80, s31, s23, $0xb8;
	[tilespmem:$0x1CB00] =	vst v63  }
0xa4: {  	_ =	swait.ge [sflag:s21], $0x4000  }
0xa5: {  	[sflag:s21] =	ssyncset.done $0x0  }
0xa6: {  	s13 =	simm.s32 $0x14200;
	s12 =	rddreg [dreg:$0x7];
	[sflag:s21] =	ssyncadd.s32 $0xFFFFC000  }
0xa7: {  	[tilespmem:s13], [sflag:$0x4] =	stream.linear.gather [hbm4b:s12+s4], $0x10, $0x38;
	[tilespmem:$0x1CB00] =	vst v63  }
0xa8: {  	_ =	swait.ge [sflag:s21], $0x10  }
0xa9: {  	[sflag:s21] =	ssyncset.done $0x0  }
0xaa: {  	[sflag:s21] =	ssyncadd.s32 $0xFFFFFFF0  }
0xab: {  	[tilespmem:s6], [sflag:$0x3] =	stream.indirect.gather [hbm4b:s2+s1], $0x80, s13, s1, $0xb8;
	[tilespmem:$0x1CB00] =	vst v63  }
0xac: {  	_ =	swait.ge [sflag:s7], $0x800  }
0xad: {  	[sflag:s7] =	ssyncset.done $0x0  }
0xae: {  	s14 =	rddreg [dreg:$0x8];
	[sflag:s7] =	ssyncadd.s32 $0xFFFFF800  }
0xaf: {  	[tilespmem:s9], [sflag:$0x4] =	stream.linear.gather [hbm4b:s14+s4], $0x10, $0x38;
	[tilespmem:$0x1CB00] =	vst v63  }
0xb0: {  	_ =	swait.ge [sflag:s21], $0x10  }
0xb1: {  	[sflag:s21] =	ssyncset.done $0x0  }
0xb2: {  	[sflag:s21] =	ssyncadd.s32 $0xFFFFFFF0  }
0xb3: {  	[spmem:s3] =	stream.indirect.scatter.add.f32 [tilespmem:s6], [sflag:$0x4], $0x80, s9, s1, $0xb8;
	[tilespmem:$0x1CB00] =	vst v63  }
0xb4: {  	_ =	swait.ge [sflag:s21], $0x800  }
0xb5: {  	[sflag:s21] =	ssyncset.done $0x0  }
0xb6: {  	[sflag:s21] =	ssyncadd.s32 $0xFFFFF800  }
0xb7: {  	[bflag:$0x0] =	sbarrier.arrive $0xFFFF  }
0xb8: {  	s15 =	rddreg [dreg:$0x9]  }
0xb9: {  	[hbm:s15], [sflag:s8] =	dma.local [spmem:s11], $0x2800  }
0xba: {  	_ =	swait.ge [sflag:s21], $0x2800  }
0xbb: {  	s10 =	sadd.s32 $0x1, s10;
	s16 =	rddreg [dreg:$0xa]  }
0xbc: {  	p0 =	sne.s32 s10, s16  }
.Ltmp1:
0xbd: {  	_ = 	snop;
	(pc) =	sbr.rel @p0 .LBB2_1-.Ltmp1, $3  }
0xbe: {  	_ =	sdelay $0x1  }
0xbf: {  	[sflag:s21] =	ssyncset.done $0x0  }
0xc0: {  	[sflag:s21] =	ssyncadd.s32 $0xFFFFD800  }
0xc1: {  	_ =	sfence.sel $0x180000  }
0xc2: {  	[bflag:$0x0] =	sbarrier.arrive $0xFFFF  }
0xc3: {  	_ =	strace $0x9000004D  }
0xc4: {  	s0 =	stileid.u32;
	[bflag:$0x2] =	sbarrier.arrive $0xFFFF  }
0xc5: {  	p0 =	sne.s32 s0, $0x0;
	s0 =	rddreg [dreg:$0x3]  }
0xc6: {  	s0 =	sadd.s32 @!p0 $0x100000, s0  }
0xc7: {  	[sflag:s0] =	ssyncadd.tile.s32 @!p0 $0x1;
	_ =	shalt  }
.Lfunc_end2:
_tile_overlayer_lowered:
.L_overlay_start_2:
0xc8: {  	(tag) =	ssettag $0x2  }
0xc9: {  	s0 =	rddreg [dreg:$0x0];
	s2 =	stileid.u32  }
0xca: {  	s1 =	rddreg [dreg:$0x1];
	p0 =	sne.s32 s2, $0x0  }
0xcb: {  	s3 =	rddreg [dreg:$0x2];
	[bflag:$0x3] =	sbarrier.arrive $0xFFFF;
	s2 =	simm.s32 @!p0 $0x1C04  }
0xcc: {  	[timem:s3], [sflag:s2] =	dma.local @!p0 [hbm:s0], s1  }
0xcd: {  	s0 =	simm.s32 @!p0 $0x4  }
0xce: {  	_ =	swait.ge @!p0 [sflag:s0], s1  }
0xcf: {  	s1 =	ssub.s32 @!p0 $0x0, s1;
	[sflag:s0] =	ssyncset.done @!p0 $0x0  }
0xd0: {  	[sflag:s0] =	ssyncadd.s32 @!p0 s1  }
0xd1: {  	[bflag:$0x3] =	sbarrier.arrive $0xFFFF  }
0xd2: {  	_ =	shalt  }

// kernel: kernel.8.cloned.1.call-start
scs
__scs_entry_jumppad:
0x0: {  	(pc) =	sbr.rel $0x88, $3  }
0x1: {  	(tag) =	ssettag $0x0;
	lr =	simm.s32 $0x1  }
0x2: {  	[smem:$0x3F98] =	sst lr;
	_ =	strace $0xD0000000  }
0x3: {  	_ = 	snop  }
0x4: {  	_ = 	snop  }
0x5: {  	_ = 	snop  }
0x6: {  	_ = 	snop  }
0x7: {  	_ = 	snop  }
__scs_overlays_trampoline_lowered:
0x8: {  	[smem:$0x3FA7] =	sst s0  }
0x9: {  	[smem:$0x3FA8] =	sst s1  }
0xa: {  	[smem:$0x3FA9] =	sst s2  }
0xb: {  	[smem:$0x3FAA] =	sst s3  }
0xc: {  	[smem:$0x3FAB] =	sst s4  }
0xd: {  	[smem:$0x3FAC] =	sst s5  }
0xe: {  	[smem:$0x3FAD] =	sst s6  }
0xf: {  	[smem:$0x3FAE] =	sst s7  }
0x10: {  	[smem:$0x3FAF] =	sst s8  }
0x11: {  	[smem:$0x3FB0] =	sst s9;
	s0 =	simm.s32 @!p0 $0x0  }
0x12: {  	s1 =	sld [smem:$0x3F96];
	s0 =	simm.s32 @p0 $0x1  }
0x13: {  	[smem:$0x3FB1] =	sst s0;
	s0 =	simm.s32 @!p1 $0x0  }
0x14: {  	s2 =	sld [smem:$0x3F95];
	s0 =	simm.s32 @p1 $0x1  }
0x15: {  	[smem:$0x3FB2] =	sst s0;
	s0 =	simm.s32 @!p2 $0x0  }
0x16: {  	s3 =	sld [smem:$0x3FDB];
	s0 =	simm.s32 @p2 $0x1  }
0x17: {  	s4 =	simm.s32 $0x1BF5;
	[smem:$0x3FB4] =	sst s0  }
0x18: {  	s0 =	sld [smem:$0x3F97];
	_ =	swait.ge [sflag:s4], $0x0  }
0x19: {  	s7 =	sld [smem:$0x3F98]  }
0x1a: {  	s8 =	sadd.s32 $0xFFFFE003, lr  }
0x1b: {  	s9 =	sadd.s32 $0xFFFFFEF7, lr;
	s5 =	simm.s32 $0xFFFFFFFF;
	p2 =	slt.u32 s8, $0xFFFFF086  }
0x1c: {  	p1 =	slt.u32 s9, $0xF7A;
	s5 =	simm.s32 @!p2 $0x0  }
0x1d: {  	s5 =	simm.s32 @p1 $0x1;
	p0 =	seq.s32 s7, s2  }
0x1e: {  	s7 =	smul.u32 @!p0 $0xF7A, s2;
	p2 =	seq.s32 @!p0 s5, $0x0  }
0x1f: {  	s9 =	smul.u32 $0xF7A, s1;
	s8 =	simm.s32 @!p0 $0x1BF5;
	p2 =	por !p2, p0  }
0x20: {  	[sflag:s8] =	ssyncset.s32 @!p0 $0xFFFFF086;
	s6 =	sadd.s32 @!p0 s3, s7;
	s7 =	simm.s32 @!p0 $0x108  }
0x21: {  	s3 =	sadd.s32 s3, s9;
	s6 =	sadd.s32 @!p0 $0x88, s6;
	s7 =	simm.s32 @p2 $0x1082  }
0x22: {  	[simem:s7], [sflag:s8] =	dma.local @!p0 [hbm:s6], $0xF7A  }
0x23: {  	s9 =	sor.u32 $0xD0000000, s2;
	s6 =	simm.s32 $0x108;
	_ =	swait.ge @!p0 [sflag:s8], $0x0  }
0x24: {  	s3 =	sadd.s32 $0x88, s3;
	s6 =	simm.s32 @!p1 $0x1082;
	[sflag:s4] =	ssyncset.s32 $0xFFFFF086  }
0x25: {  	[simem:s6], [sflag:s4] =	dma.local [hbm:s3], $0xF7A  }
0x26: {  	[smem:$0x3F98] =	sst s1;
	(tag) =	ssettag s2;
	_ =	strace s9  }
0x27: {  	s1 =	sld [smem:$0x3FA8]  }
0x28: {  	s2 =	sld [smem:$0x3FA9]  }
0x29: {  	s4 =	sld [smem:$0x3FAB]  }
0x2a: {  	p0 =	seq.s32 s5, $0x0;
	s5 =	sld [smem:$0x3FAC]  }
0x2b: {  	s6 =	sld [smem:$0x3FAD]  }
0x2c: {  	s7 =	sld [smem:$0x3FAE]  }
0x2d: {  	s3 =	simm.s32 $0x108;
	s8 =	sld [smem:$0x3FAF]  }
0x2e: {  	s3 =	simm.s32 @!p0 $0x1082;
	s9 =	sld [smem:$0x3FB0]  }
0x2f: {  	lr =	sadd.s32 s0, s3;
	s0 =	sld [smem:$0x3FA7]  }
0x30: {  	s3 =	sld [smem:$0x3FAA]  }
0x31: {  	[smem:$0x3FB3] =	sst s10  }
0x32: {  	s10 =	sld [smem:$0x3FB1];
	_ =	sdelay $0x3  }
0x33: {  	p0 =	seq.s32 s10, $0x1;
	s10 =	sld [smem:$0x3FB3];
	_ =	sdelay $0x3  }
0x34: {  	[smem:$0x3FB3] =	sst s10  }
0x35: {  	s10 =	sld [smem:$0x3FB2];
	_ =	sdelay $0x3  }
0x36: {  	p1 =	seq.s32 s10, $0x1;
	s10 =	sld [smem:$0x3FB3];
	_ =	sdelay $0x3  }
0x37: {  	[smem:$0x3FB3] =	sst s10  }
0x38: {  	s10 =	sld [smem:$0x3FB4]  }
0x39: {  	_ = 	snop;
	(pc) =	sbr.ind lr, $3  }
0x3a: {  	_ = 	snop  }
0x3b: {  	_ = 	snop  }
0x3c: {  	p2 =	seq.s32 s10, $0x1;
	s10 =	sld [smem:$0x3FB3]  }
0x3d: {  	_ =	shalt  }
0x3e: {  	_ =	shalt  }
0x3f: {  	_ =	shalt  }
0x40: {  	_ =	shalt  }
0x41: {  	_ =	shalt  }
0x42: {  	_ =	shalt  }
0x43: {  	_ =	shalt  }
0x44: {  	_ =	shalt  }
0x45: {  	_ =	shalt  }
0x46: {  	_ =	shalt  }
0x47: {  	_ =	shalt  }
0x48: {  	_ =	shalt  }
0x49: {  	_ =	shalt  }
0x4a: {  	_ =	shalt  }
0x4b: {  	_ =	shalt  }
0x4c: {  	_ =	shalt  }
0x4d: {  	_ =	shalt  }
0x4e: {  	_ =	shalt  }
0x4f: {  	_ =	shalt  }
0x50: {  	_ =	shalt  }
0x51: {  	_ =	shalt  }
0x52: {  	_ =	shalt  }
0x53: {  	_ =	shalt  }
0x54: {  	_ =	shalt  }
0x55: {  	_ =	shalt  }
0x56: {  	_ =	shalt  }
0x57: {  	_ =	shalt  }
0x58: {  	_ =	shalt  }
0x59: {  	_ =	shalt  }
0x5a: {  	_ =	shalt  }
0x5b: {  	_ =	shalt  }
0x5c: {  	_ =	shalt  }
0x5d: {  	_ =	shalt  }
0x5e: {  	_ =	shalt  }
0x5f: {  	_ =	shalt  }
0x60: {  	_ =	shalt  }
0x61: {  	_ =	shalt  }
0x62: {  	_ =	shalt  }
0x63: {  	_ =	shalt  }
0x64: {  	_ =	shalt  }
0x65: {  	_ =	shalt  }
0x66: {  	_ =	shalt  }
0x67: {  	_ =	shalt  }
0x68: {  	_ =	shalt  }
0x69: {  	_ =	shalt  }
0x6a: {  	_ =	shalt  }
0x6b: {  	_ =	shalt  }
0x6c: {  	_ =	shalt  }
0x6d: {  	_ =	shalt  }
0x6e: {  	_ =	shalt  }
0x6f: {  	_ =	shalt  }
0x70: {  	_ =	shalt  }
0x71: {  	_ =	shalt  }
0x72: {  	_ =	shalt  }
0x73: {  	_ =	shalt  }
0x74: {  	_ =	shalt  }
0x75: {  	_ =	shalt  }
0x76: {  	_ =	shalt  }
0x77: {  	_ =	shalt  }
0x78: {  	_ =	shalt  }
0x79: {  	_ =	shalt  }
0x7a: {  	_ =	shalt  }
0x7b: {  	_ =	shalt  }
0x7c: {  	_ =	shalt  }
0x7d: {  	_ =	shalt  }
0x7e: {  	_ =	shalt  }
0x7f: {  	_ =	shalt  }
0x80: {  	_ =	shalt  }
0x81: {  	_ =	shalt  }
0x82: {  	_ =	shalt  }
0x83: {  	_ =	shalt  }
0x84: {  	_ =	shalt  }
0x85: {  	_ =	shalt  }
0x86: {  	_ =	shalt  }
0x87: {  	_ =	shalt  }
.Lfunc_end0:
.L_simem_size_0:
called_computation_lowered:
.L_overlay_start_0:
0x88: {  	s2 =	sld [smem:$0x3FD9]  }
0x89: {  	s3 =	sld [smem:$0x3FFE];
	_ =	sdelay $0x1  }
0x8a: {  	s1 =	srdreg.scid  }
0x8b: {  	s0 =	sand.u32 $0x1, s1  }
0x8c: {  	s16 =	sshll.u32 s0, $0xA;
	s2 =	sadd.s32 s3, s2  }
0x8d: {  	s2 =	sadd.s32 s2, s16  }
0x8e: {  	[smem:$0x3FBF] =	sst s2  }
0x8f: {  	_ = 	snop  }
0x90: {  	(tm) =	ssettm $0x1  }
0x91: {  	s17 =	sld [smem:$0x3FFB];
	_ =	sdelay $0x3  }
0x92: {  	_ =	strace s17  }
0x93: {  	s2 =	sld [smem:$0x3FFC];
	_ =	sdelay $0x3  }
0x94: {  	_ =	strace s2  }
0x95: {  	s2 =	sld [smem:$0x3FFD];
	_ =	sdelay $0x3  }
0x96: {  	_ =	strace s2  }
0x97: {  	_ =	strace $0x8FFFFFFF  }
0x98: {  	s18 =	sld [smem:$0x3FDB];
	_ =	sdelay $0x1  }
0x99: {  	s19 =	simm.s32 $_scs_section_size  }
0x9a: {  	s4 =	simm.s32 $_size__tile_overlayer_lowered;
	s5 =	simm.s32 $_tile_overlayer_lowered  }
0x9b: {  	s22 =	simm.s32 $0x1BFF;
	s21 =	sshll.u32 s5, $0x1;
	s2 =	sadd.s32 s19, s18  }
0x9c: {  	s6 =	simm.s32 $0x0;
	s20 =	sshll.u32 s4, $0x1;
	s4 =	sadd.s32 s21, s2  }
0x9d: {  	[timem:s6], [sflag:s22] =	dma.local [hbm:s4], s20  }
0x9e: {  	_ =	swait.ge [sflag:s22], s20  }
0x9f: {  	s3 =	ssub.s32 $0x0, s20;
	[sflag:s22] =	ssyncset.done $0x0  }
0xa0: {  	[sflag:s22] =	ssyncadd.s32 s3;
	_ =	sdelay $0x1  }
0xa1: {  	s23 =	simm.s32 $0x1B8B  }
0xa2: {  	_ =	swait.ge [sflag:s23], $0x1  }
0xa3: {  	[sflag:s23] =	ssyncset.done $0x0  }
0xa4: {  	s25 =	simm.s32 $0x1B8E;
	s24 =	sld [smem:$0x3FFE];
	[sflag:s23] =	ssyncadd.s32 $0xFFFFFFFF  }
0xa5: {  	s26 =	simm.s32 $execute0_lowered;
	[smem:$0x3FD2] =	sst s25  }
0xa6: {  	s4 =	sshll.u32 s26, $0x1;
	_ =	strace $0x80000046;
	[dreg:$0x1] =	wrdreg $0xFFFFFFFF  }
0xa7: {  	s28 =	simm.s32 $_size_execute0_lowered;
	s2 =	sadd.s32 s2, s4;
	[dreg:$0x0] =	wrdreg $0x0  }
0xa8: {  	s4 =	sshll.u32 s28, $0x1;
	[dreg:$0x2] =	wrdreg s2  }
0xa9: {  	[dreg:$0x3] =	wrdreg s4  }
0xaa: {  	[dreg:$0x4] =	wrdreg $0xC0  }
0xab: {  	_ =	task [dreg:s6], $0x5FFFF  }
0xac: {  	[dreg:$0x1] =	wrdreg $0xFFFFFFFF  }
0xad: {  	[dreg:$0x0] =	wrdreg $0x60  }
0xae: {  	[dreg:$0x2] =	wrdreg s24  }
0xaf: {  	[dreg:$0x3] =	wrdreg $0x0  }
0xb0: {  	[dreg:$0x4] =	wrdreg $0x9  }
0xb1: {  	_ =	task.clear_ibuf [dreg:s6], $0x5FFFF;
	_ =	strace $0x90000046  }
0xb2: {  	s29 =	simm.s32 $0x9;
	_ =	strace $0x80000048  }
0xb3: {  	_ =	swait.ge [sflag:s29], $0x1  }
0xb4: {  	[sflag:s29] =	ssyncadd.s32 $0xFFFFFFFF  }
0xb5: {  	_ =	strace $0x90000048  }
0xb6: {  	_ =	sfence  }
0xb7: {  	s30 =	sld [smem:$0x0];
	_ =	sdelay $0x2  }
0xb8: {  	s31 =	sshll.u32 s1, $0xD;
	s1 =	sshrl.u32 s1, $0x2  }
0xb9: {  	s3 =	sand.u32 $0x4000, s31;
	s1 =	sadd.s32 s1, s30  }
0xba: {  	s0 =	sor.u32 s3, s0;
	s1 =	sshll.u32 s1, $0x11  }
0xbb: {  	s0 =	sor.u32 s1, s0  }
0xbc: {  	s0 =	sadd.s32 $0x8F2B, s0  }
0xbd: {  	[sflag:s0] =	ssyncadd.remote.s32 $0x1  }
0xbe: {  	_ =	sfence.sel $0xFFFF  }
0xbf: {  	[dreg:$0x0] =	wrdreg $0xFFFFFFFF;
	(pc) =	sbr.abs _section_cstart, $3  }
0xc0: {  	[dreg:$0x1] =	wrdreg $0xFFFFFFFF  }
0xc1: {  	_ =	task.clear_ibuf [dreg:s6], $0x2FFFF;
	_ =	strace $0x9FFFFFFF  }
0xc2: {  	(tm) =	ssettm $0x7FFFFFFF  }
0xc3: {  	_ =	shalt  }
tec
execute0_lowered:
.L_overlay_start_1:
0x0: {  	(tag) =	ssettag $0x1  }
0x1: {  	s5 =	rddreg [dreg:$0x0]  }
0x2: {  	s2 =	rddreg [dreg:$0x1]  }
0x3: {  	s0 =	rddreg [dreg:$0x2];
	s1 =	stileid.u32  }
0x4: {  	s4 =	srdreg.scid;
	s3 =	simm.s32 $0x0;
	s16 =	simm.s32 $0x14000  }
0x5: {  	s17 =	simm.s32 $0x80;
	s18 =	simm.s32 $0x18100;
	s19 =	simm.s32 $0x14080  }
0x6: {  	s20 =	simm.s32 $0x10;
	s21 =	simm.s32 $0x0;
	s6 =	smul.u32 $0x14000, s1  }
0x7: {  	s7 =	sand.u32 $0x1, s4;
	[smem:$0x7FF] =	sst s3;
	s13 =	smul.u32 $0x50000, s1  }
0x8: {  	s12 =	sadd.s32 $0xCE00, s5;
	s11 =	sadd.s32 $0x3000, s5;
	s15 =	smul.u32 $0x2710, s1  }
0x9: {  	s29 =	sshll.u32 s1, $0x6;
	s4 =	smul.u32 $0x140000, s7;
	_ =	strace $0x80000047  }
0xa: {  	s9 =	sshll.u32 s7, $0x4;
	s10 =	ssub.s32 $0x2, s7;
	s28 =	smul.u32 $0x27100, s7  }
0xb: {  	s8 =	sshrl.u32 s6, $0x3;
	s9 =	sor.u32 s1, s9;
	s24 =	sshrl.u32 s10, $0x1  }
0xc: {  	s26 =	sshrl.u32 s13, $0x2;
	s8 =	sadd.s32 s8, s5;
	s6 =	sadd.s32 s6, s4  }
0xd: {  	s4 =	sadd.s32 $0x16C00, s5;
	s25 =	smul.u32 $0x2710, s9;
	s10 =	ssub.s32 s10, s24  }
0xe: {  	s13 =	sadd.s32 s26, s2;
	s15 =	sadd.s32 s15, s28;
	s6 =	sshrl.u32 s6, $0x3  }
0xf: {  	s31 =	sshrl.u32 s15, $0x3;
	s10 =	smax.u32 s10, $0x1;
	s13 =	sshrl.u32 s13, $0x3  }
0x10: {  	s15 =	simm.s32 $0x14100;
	s14 =	sadd.s32 s6, s5;
	s6 =	sshrl.u32 s25, $0x3  }
0x11: {  	s5 =	sadd.s32 $0x17C00, s8;
	s30 =	sadd.s32 $0x4E0, s6;
	s6 =	sor.u32 $0x1C01, s29  }
0x12: {  	s9 =	sadd.s32 $0x3FC00, s14;
	s14 =	simm.s32 $0x1;
	s7 =	sadd.s32 s12, s30  }
0x13: {  	s8 =	sadd.s32 s11, s30;
	s11 =	sadd.s32 s31, s11;
	s12 =	sadd.s32 s31, s12  }
.LBB2_1:
0x14: {  	[spmem:s13], [sflag:s6] =	dma.local [hbm:s5], $0x2800  }
0x15: {  	_ =	swait.ge [sflag:s14], $0x2800  }
0x16: {  	[sflag:s14] =	ssyncset.done $0x0  }
0x17: {  	[sflag:s14] =	ssyncadd.s32 $0xFFFFD800  }
0x18: {  	[tilespmem:s15], [sflag:$0x1] =	stream.linear.gather [hbm4b:s4+s3], $0x8000, $0x38;
	[tilespmem:$0x1C100] =	vst v63  }
0x19: {  	_ =	swait.ge [sflag:s14], $0x8000  }
0x1a: {  	[sflag:s14] =	ssyncset.done $0x0  }
0x1b: {  	[sflag:s14] =	ssyncadd.s32 $0xFFFF8000  }
0x1c: {  	s22 =	sadd.s32 $0x0, s12;
	[bflag:$0x0] =	sbarrier.arrive $0xFFFF  }
0x1d: {  	[tilespmem:s16], [sflag:$0x1] =	stream.linear.gather [hbm4b:s22+s3], $0x80, $0x38;
	[tilespmem:$0x1C100] =	vst v63  }
0x1e: {  	_ =	swait.ge [sflag:s14], $0x80  }
0x1f: {  	[sflag:s14] =	ssyncset.done $0x0  }
0x20: {  	[sflag:s14] =	ssyncadd.s32 $0xFFFFFF80  }
0x21: {  	[spmem:s2] =	stream.indirect.scatter.add.f32 [tilespmem:s15], [sflag:$0x1], $0x80, s16, s17, $0xb8;
	[tilespmem:$0x1C100] =	vst v63  }
0x22: {  	_ =	swait.ge [sflag:s14], $0x4000  }
0x23: {  	[sflag:s14] =	ssyncset.done $0x0  }
0x24: {  	s31 =	sadd.s32 $0x0, s11;
	[sflag:s14] =	ssyncadd.s32 $0xFFFFC000  }
0x25: {  	[tilespmem:s16], [sflag:$0x1] =	stream.linear.gather [hbm4b:s31+s3], $0x80, $0x38;
	[tilespmem:$0x1C100] =	vst v63  }
0x26: {  	_ =	swait.ge [sflag:s14], $0x80  }
0x27: {  	[sflag:s14] =	ssyncset.done $0x0  }
0x28: {  	[sflag:s14] =	ssyncadd.s32 $0xFFFFFF80  }
0x29: {  	[spmem:s2] =	stream.indirect.scatter.add.f32 [tilespmem:s18], [sflag:$0x1], $0x80, s16, s17, $0xb8;
	[tilespmem:$0x1C100] =	vst v63  }
0x2a: {  	_ =	swait.ge [sflag:s14], $0x4000  }
0x2b: {  	s23 =	simm.s32 $0x20;
	s22 =	simm.s32 $0x10;
	[sflag:s14] =	ssyncset.done $0x0  }
.LBB2_2:
0x2c: {  	s24 =	sadd.s32 s22, s12  }
0x2d: {  	[sflag:s14] =	ssyncadd.s32 $0xFFFFC000;
	s25 =	smov.u32 s23;
	s26 =	sadd.s32 $0x10, s23  }
0x2e: {  	[tilespmem:s16], [sflag:$0x1] =	stream.linear.gather [hbm4b:s24+s3], $0x80, $0x38;
	[tilespmem:$0x1C100] =	vst v63  }
0x2f: {  	p0 =	sne.s32 s23, $0x4D0;
	_ =	swait.ge [sflag:s14], $0x80  }
0x30: {  	[sflag:s14] =	ssyncset.done $0x0  }
0x31: {  	[sflag:s14] =	ssyncadd.s32 $0xFFFFFF80  }
0x32: {  	[spmem:s2] =	stream.indirect.scatter.add.f32 [tilespmem:s15], [sflag:$0x1], $0x80, s16, s17, $0xb8;
	[tilespmem:$0x1C100] =	vst v63  }
0x33: {  	_ =	swait.ge [sflag:s14], $0x4000  }
0x34: {  	[sflag:s14] =	ssyncset.done $0x0  }
0x35: {  	s23 =	sadd.s32 s22, s11;
	s22 =	smov.u32 s25;
	[sflag:s14] =	ssyncadd.s32 $0xFFFFC000  }
0x36: {  	[tilespmem:s16], [sflag:$0x1] =	stream.linear.gather [hbm4b:s23+s3], $0x80, $0x38;
	[tilespmem:$0x1C100] =	vst v63  }
0x37: {  	_ =	swait.ge [sflag:s14], $0x80  }
.Ltmp0:
0x38: {  	[sflag:s14] =	ssyncset.done $0x0;
	(pc) =	sbr.rel @p0 .LBB2_2-.Ltmp0, $4  }
0x39: {  	[sflag:s14] =	ssyncadd.s32 $0xFFFFFF80  }
0x3a: {  	[spmem:s2] =	stream.indirect.scatter.add.f32 [tilespmem:s18], [sflag:$0x1], $0x80, s16, s17, $0xb8;
	[tilespmem:$0x1C100] =	vst v63  }
0x3b: {  	_ =	swait.ge [sflag:s14], $0x4000  }
0x3c: {  	s23 =	smov.u32 s26;
	[sflag:s14] =	ssyncset.done $0x0  }
0x3d: {  	s23 =	sadd.s32 s22, s12;
	[sflag:s14] =	ssyncadd.s32 $0xFFFFC000  }
0x3e: {  	[tilespmem:s16], [sflag:$0x1] =	stream.linear.gather [hbm4b:s23+s3], $0x80, $0x38;
	[tilespmem:$0x1C100] =	vst v63  }
0x3f: {  	_ =	swait.ge [sflag:s14], $0x80  }
0x40: {  	[sflag:s14] =	ssyncset.done $0x0  }
0x41: {  	[sflag:s14] =	ssyncadd.s32 $0xFFFFFF80  }
0x42: {  	[spmem:s2] =	stream.indirect.scatter.add.f32 [tilespmem:s15], [sflag:$0x1], $0x80, s16, s17, $0xb8;
	[tilespmem:$0x1C100] =	vst v63  }
0x43: {  	_ =	swait.ge [sflag:s14], $0x4000  }
0x44: {  	[sflag:s14] =	ssyncset.done $0x0  }
0x45: {  	s31 =	sadd.s32 s22, s11;
	[sflag:s14] =	ssyncadd.s32 $0xFFFFC000  }
0x46: {  	[tilespmem:s16], [sflag:$0x1] =	stream.linear.gather [hbm4b:s31+s3], $0x80, $0x38;
	[tilespmem:$0x1C100] =	vst v63  }
0x47: {  	_ =	swait.ge [sflag:s14], $0x80  }
0x48: {  	[sflag:s14] =	ssyncset.done $0x0  }
0x49: {  	[sflag:s14] =	ssyncadd.s32 $0xFFFFFF80  }
0x4a: {  	[spmem:s2] =	stream.indirect.scatter.add.f32 [tilespmem:s18], [sflag:$0x1], $0x80, s16, s17, $0xb8;
	[tilespmem:$0x1C100] =	vst v63  }
0x4b: {  	_ =	swait.ge [sflag:s14], $0x4000  }
0x4c: {  	[sflag:s14] =	ssyncset.done $0x0  }
0x4d: {  	[sflag:s14] =	ssyncadd.s32 $0xFFFFC000  }
0x4e: {  	[tilespmem:s19], [sflag:$0x1] =	stream.linear.gather [hbm4b:s7+s3], $0x10, $0x38;
	[tilespmem:$0x1C100] =	vst v63  }
0x4f: {  	_ =	swait.ge [sflag:s14], $0x10  }
0x50: {  	[sflag:s14] =	ssyncset.done $0x0  }
0x51: {  	[sflag:s14] =	ssyncadd.s32 $0xFFFFFFF0  }
0x52: {  	[spmem:s2] =	stream.indirect.scatter.add.f32 [tilespmem:s15], [sflag:$0x1], $0x80, s19, s20, $0xb8;
	[tilespmem:$0x1C100] =	vst v63  }
0x53: {  	_ =	swait.ge [sflag:s14], $0x800  }
0x54: {  	[sflag:s14] =	ssyncset.done $0x0  }
0x55: {  	[sflag:s14] =	ssyncadd.s32 $0xFFFFF800  }
0x56: {  	[tilespmem:s19], [sflag:$0x1] =	stream.linear.gather [hbm4b:s8+s3], $0x10, $0x38;
	[tilespmem:$0x1C100] =	vst v63  }
0x57: {  	_ =	swait.ge [sflag:s14], $0x10  }
0x58: {  	[sflag:s14] =	ssyncset.done $0x0  }
0x59: {  	[sflag:s14] =	ssyncadd.s32 $0xFFFFFFF0  }
0x5a: {  	[spmem:s2] =	stream.indirect.scatter.add.f32 [tilespmem:s18], [sflag:$0x1], $0x80, s19, s20, $0xb8;
	[tilespmem:$0x1C100] =	vst v63  }
0x5b: {  	_ =	swait.ge [sflag:s14], $0x800  }
0x5c: {  	s21 =	sadd.s32 $0x1, s21;
	[sflag:s14] =	ssyncset.done $0x0  }
0x5d: {  	p0 =	sne.s32 s21, s10;
	[sflag:s14] =	ssyncadd.s32 $0xFFFFF800  }
.Ltmp1:
0x5e: {  	[bflag:$0x0] =	sbarrier.arrive $0xFFFF;
	(pc) =	sbr.rel @p0 .LBB2_1-.Ltmp1, $4  }
0x5f: {  	[hbm:s9], [sflag:s6] =	dma.local [spmem:s13], $0x2800  }
0x60: {  	_ =	swait.ge [sflag:s14], $0x2800  }
0x61: {  	[sflag:s14] =	ssyncset.done $0x0  }
0x62: {  	[sflag:s14] =	ssyncadd.s32 $0xFFFFD800  }
0x63: {  	_ =	sfence.sel $0x180000  }
0x64: {  	[bflag:$0x0] =	sbarrier.arrive $0xFFFF  }
0x65: {  	p0 =	sne.s32 s1, $0x0;
	_ =	strace $0x90000047  }
0x66: {  	s0 =	sadd.s32 @!p0 $0x100000, s0;
	[bflag:$0x2] =	sbarrier.arrive $0xFFFF  }
0x67: {  	[sflag:s0] =	ssyncadd.tile.s32 @!p0 $0x1;
	_ =	shalt  }
.Lfunc_end2:
_tile_overlayer_lowered:
.L_overlay_start_2:
0x68: {  	(tag) =	ssettag $0x2  }
0x69: {  	s0 =	rddreg [dreg:$0x0];
	s2 =	stileid.u32  }
0x6a: {  	s1 =	rddreg [dreg:$0x1];
	p0 =	sne.s32 s2, $0x0  }
0x6b: {  	s3 =	rddreg [dreg:$0x2];
	[bflag:$0x3] =	sbarrier.arrive $0xFFFF;
	s2 =	simm.s32 @!p0 $0x1C01  }
0x6c: {  	[timem:s3], [sflag:s2] =	dma.local @!p0 [hbm:s0], s1  }
0x6d: {  	s0 =	simm.s32 @!p0 $0x1  }
0x6e: {  	_ =	swait.ge @!p0 [sflag:s0], s1  }
0x6f: {  	s1 =	ssub.s32 @!p0 $0x0, s1;
	[sflag:s0] =	ssyncset.done @!p0 $0x0  }
0x70: {  	[sflag:s0] =	ssyncadd.s32 @!p0 s1  }
0x71: {  	[bflag:$0x3] =	sbarrier.arrive $0xFFFF  }
0x72: {  	_ =	shalt  }

</sc_bundles>
